<compile_context>
chip_gen: v7x
topology: tpu7x:2x2x1
jax: 0.10.2.dev20260603
libtpu: 0.0.44.dev20260713+nightly
codegen_flags: <defaults>
</compile_context>

<pallas_src>
import functools

import jax
import jax.numpy as jnp
from jax import lax
from jax.experimental import pallas as pl
from jax.experimental.pallas import tpu as pltpu
from jax.experimental.pallas import tpu_sc as plsc

_N = 50000
_K = 32
_BLK = 128
_NFULL = _N // _BLK
_TAIL = _N - _NFULL * _BLK
_NW = 32
_TMAX = (_NFULL + _NW - 1) // _NW
_UMAX = (_TMAX + 1) // 2


@functools.lru_cache(maxsize=1)
def _sc_rowsum_call():
    mesh = plsc.VectorSubcoreMesh(core_axis_name="c", subcore_axis_name="s")

    @functools.partial(
        pl.kernel,
        mesh=mesh,
        out_type=jax.ShapeDtypeStruct((_N,), jnp.float32),
        scratch_types=[
            pltpu.VMEM((_K, _BLK), jnp.float32),
            pltpu.VMEM((_K, _BLK), jnp.float32),
            pltpu.VMEM((_K, _TAIL), jnp.float32),
            pltpu.VMEM((_BLK,), jnp.float32),
            pltpu.VMEM((16,), jnp.float32),
            pltpu.SemaphoreType.DMA,
            pltpu.SemaphoreType.DMA,
        ],
        compiler_params=pltpu.CompilerParams(skip_device_barrier=True),
    )
    def sc_rowsum(nst_hbm, tail_hbm, bias_hbm, out_hbm,
                  buf0, buf1, tbuf, obuf, bvec, sem0, sem1):
        wid = lax.axis_index("s") * 2 + lax.axis_index("c")
        pltpu.sync_copy(bias_hbm, bvec)

        def start(r, buf, sem):
            pltpu.async_copy(
                nst_hbm.at[pl.ds(0, _K), pl.ds(r * _BLK, _BLK)], buf, sem)

        def wait(r, buf, sem):
            pltpu.make_async_copy(
                nst_hbm.at[pl.ds(0, _K), pl.ds(r * _BLK, _BLK)], buf, sem
            ).wait()

        def reduce_to(src, g, dst_off):
            a0 = bvec[...]
            a1 = jnp.zeros((16,), jnp.float32)
            a2 = jnp.zeros((16,), jnp.float32)
            a3 = jnp.zeros((16,), jnp.float32)
            for js in range(0, _K, 4):
                a0 = a0 + src[js, pl.ds(g * 16, 16)]
                a1 = a1 + src[js + 1, pl.ds(g * 16, 16)]
                a2 = a2 + src[js + 2, pl.ds(g * 16, 16)]
                a3 = a3 + src[js + 3, pl.ds(g * 16, 16)]
            obuf[pl.ds(dst_off, 16)] = (a0 + a1) + (a2 + a3)

        def compute(buf, r):
            def grp(g, c2):
                reduce_to(buf, g, g * 16)
                return c2

            lax.fori_loop(0, _BLK // 16, grp, 0)
            pltpu.sync_copy(obuf, out_hbm.at[pl.ds(r * _BLK, _BLK)])

        start(wid, buf0, sem0)

        def dbl(u, carry):
            r0 = wid + _NW * 2 * u
            r1 = r0 + _NW
            r2 = r1 + _NW

            @pl.when(r1 < _NFULL)
            def _():
                start(r1, buf1, sem1)

            @pl.when(r0 < _NFULL)
            def _():
                wait(r0, buf0, sem0)
                compute(buf0, r0)

            @pl.when(r2 < _NFULL)
            def _():
                start(r2, buf0, sem0)

            @pl.when(r1 < _NFULL)
            def _():
                wait(r1, buf1, sem1)
                compute(buf1, r1)

            return carry

        lax.fori_loop(0, _UMAX, dbl, 0)

        @pl.when(wid == _NW - 1)
        def _():
            pltpu.sync_copy(tail_hbm, tbuf)

            def tgrp(g, c2):
                reduce_to(tbuf, g, g * 16)
                return c2

            lax.fori_loop(0, _TAIL // 16, tgrp, 0)
            pltpu.sync_copy(
                obuf.at[pl.ds(0, _TAIL)],
                out_hbm.at[pl.ds(_NFULL * _BLK, _TAIL)])

    return sc_rowsum


def kernel(query_emb, entity_emb, neighbor_scores, bias):
    del query_emb, entity_emb
    ns_t = neighbor_scores.T
    tail_t = jax.lax.slice(ns_t, (0, _NFULL * _BLK), (_K, _N))
    bias16 = jnp.broadcast_to(bias.astype(jnp.float32), (16,))
    return _sc_rowsum_call()(ns_t, tail_t, bias16)

# --- scband reference (transcript-rebuilt; emitter-appended) ---
"""Pipeline reference for scband-grnecmmodel-15307263443314 (READ-ONLY COPY).

The authoritative reference and input builder live on the scoring server;
editing this copy changes nothing except your own understanding.
"""

import jax, jax.numpy as jnp
import numpy as np

N_NODES = 50000
K_NEIGHBORS = 32  # paras per entity; plus 1 trailing entscore slot -> K+1 scores
D_EMB = 128


def setup_inputs(seed: int = 0) -> dict:
    key = jax.random.key(seed)
    k1, k2, k3 = jax.random.split(key, 3)
    query_emb = jax.random.normal(k1, (N_NODES, D_EMB), dtype=jnp.float32)
    entity_emb = jax.random.normal(k2, (N_NODES, D_EMB), dtype=jnp.float32)
    # neighbor_scores[i] packs [parascore_0..parascore_{K-1}, entscore_i] for entity i
    neighbor_scores = jax.random.normal(k3, (N_NODES, K_NEIGHBORS + 1), dtype=jnp.float32)
    # GRNECM bias (num_out_features=1), initialized to zeros as in init_params
    bias = jnp.zeros((1,), dtype=jnp.float32)
    return {"query_emb": query_emb, "entity_emb": entity_emb,
            "neighbor_scores": neighbor_scores, "bias": bias}


def reference(query_emb, entity_emb, neighbor_scores, bias):
    # Faithful vectorized translation of GRNECMModel.forward with a regularized
    # neighborhood: every entity has K para neighbors (each contributing a
    # 'paraembed' + 'parascore') plus one dict with 'entscore'.
    n = entity_emb.shape[0]
    k = neighbor_scores.shape[1] - 1
    # ecm_entity_representation = 0.0 -> node_embeddings = zeros[N,1]
    node_embeddings = jnp.zeros((n, 1), dtype=jnp.float32)
    # ecm_para_representation = 1.0 repeated K times per entity, then the
    # node's own embedding (0.0) is concatenated -> values[i] in R^{K+1}
    para_vals = jnp.ones((n, k), dtype=jnp.float32)
    values = jnp.concatenate([para_vals, node_embeddings], axis=1)  # [N, K+1]
    # GRNECM: neighbors[i] * attention_scores[i].unsqueeze(1), sum over dim 0
    out_nodes = jnp.sum(values * neighbor_scores, axis=1)  # [N]
    # skip_concat_bias: out += bias (bias shape [1] broadcasts over [N])
    out_nodes = out_nodes + bias
    return out_nodes

if __name__ == "__main__":
    import jax
    _d = setup_inputs()
    print(jax.jit(kernel)(*tuple(_d.values())))

</pallas_src>

<mosaic_0001>
#map = affine_map<(d0, d1) -> (0, 0)>
#map1 = affine_map<(d0, d1) -> (0)>
module attributes {stable_mosaic.version = 14 : i64} {
  func.func @sc_rowsum(%arg0: i32, %arg1: i32, %arg2: memref<33x50000xf32, #tpu.memory_space<hbm>>, %arg3: memref<32x80xf32, #tpu.memory_space<hbm>>, %arg4: memref<16xf32, #tpu.memory_space<hbm>>, %arg5: memref<50000xf32, #tpu.memory_space<hbm>>, %arg6: memref<32x128xf32, #tpu.memory_space<vmem>>, %arg7: memref<32x128xf32, #tpu.memory_space<vmem>>, %arg8: memref<32x80xf32, #tpu.memory_space<vmem>>, %arg9: memref<128xf32, #tpu.memory_space<vmem>>, %arg10: memref<16xf32, #tpu.memory_space<vmem>>, %arg11: memref<!tpu.dma_semaphore, #tpu.memory_space<semaphore_mem>>, %arg12: memref<!tpu.dma_semaphore, #tpu.memory_space<semaphore_mem>>) attributes {dimension_semantics = [#tpu.dimension_semantics<core_parallel>, #tpu.dimension_semantics<subcore_parallel>], iteration_bounds = array<i64: 2, 16>, scalar_prefetch = 0 : i64, scratch_operands = 7 : i64, tpu.core_type = #tpu.core_type<sc_vector_subcore>, window_params = [{transform_indices = #map}, {transform_indices = #map}, {transform_indices = #map1}, {transform_indices = #map1}]} {
    %mul3A = arith.constant 2 : i32
    %mul3A_0 = arith.muli %arg1, %mul3A : i32
    %add3A = arith.addi %mul3A_0, %arg0 : i32
    "tpu.region"() ({
      %run_scoped3A = tpu.sem_alloc : memref<!tpu.dma_semaphore, #tpu.memory_space<semaphore_mem>>
      tpu.enqueue_dma source(%arg4 : memref<16xf32, #tpu.memory_space<hbm>>) target(%arg10 : memref<16xf32, #tpu.memory_space<vmem>>) target_semaphore(%run_scoped3A : memref<!tpu.dma_semaphore, #tpu.memory_space<semaphore_mem>>)
      tpu.wait_dma2 semaphore(%run_scoped3A : memref<!tpu.dma_semaphore, #tpu.memory_space<semaphore_mem>>) src(%arg4 : memref<16xf32, #tpu.memory_space<hbm>>) dst(%arg10 : memref<16xf32, #tpu.memory_space<vmem>>)
      tpu.yield
    }) : () -> ()
    %mul3A_1 = arith.constant 128 : i32
    %mul3A_2 = arith.muli %add3A, %mul3A_1 : i32
    %dma_start3A = arith.constant 0 : i32
    %dma_start3A_3 = tpu.memref_slice %arg2[%dma_start3A, %mul3A_2] : memref<33x50000xf32, #tpu.memory_space<hbm>> -> memref<32x128xf32, #tpu.memory_space<hbm>>
    %dma_start3A_4 = arith.constant 0 : i32
    %dma_start3A_5 = tpu.memref_slice %arg2[%dma_start3A_4, %mul3A_2] : memref<33x50000xf32, #tpu.memory_space<hbm>> -> memref<32x128xf32, #tpu.memory_space<hbm>>
    tpu.enqueue_dma source(%dma_start3A_5 : memref<32x128xf32, #tpu.memory_space<hbm>>) target(%arg6 : memref<32x128xf32, #tpu.memory_space<vmem>>) target_semaphore(%arg11 : memref<!tpu.dma_semaphore, #tpu.memory_space<semaphore_mem>>)
    %scan3A = arith.constant 0 : i32
    %scan3A_6 = arith.constant 0 : i32
    %scan3A_7 = arith.constant 7 : i32
    %scan3A_8 = arith.addi %scan3A_6, %scan3A_7 : i32
    %scan3A_9 = arith.constant 1 : i32
    scf.for %scan3A_13 = %scan3A_6 to %scan3A_8 step %scan3A_9  : i32 {
      %mul3A_14 = arith.constant 64 : i32
      %mul3A_15 = arith.muli %mul3A_14, %scan3A_13 : i32
      %add3A_16 = arith.addi %add3A, %mul3A_15 : i32
      %add3A_17 = arith.constant 32 : i32
      %add3A_18 = arith.addi %add3A_16, %add3A_17 : i32
      %add3A_19 = arith.constant 32 : i32
      %add3A_20 = arith.addi %add3A_18, %add3A_19 : i32
      %lt3A = arith.constant 390 : i32
      %lt3A_21 = arith.cmpi slt, %add3A_18, %lt3A : i32
      %convert_element_type3A_22 = arith.extui %lt3A_21 : i1 to i32
      %cond3A_23 = arith.constant 0 : i32
      %cond3A_24 = arith.cmpi ne, %convert_element_type3A_22, %cond3A_23 : i32
      scf.if %cond3A_24 {
        %mul3A_40 = arith.constant 128 : i32
        %mul3A_41 = arith.muli %add3A_18, %mul3A_40 : i32
        %dma_start3A_42 = arith.constant 0 : i32
        %dma_start3A_43 = tpu.memref_slice %arg2[%dma_start3A_42, %mul3A_41] : memref<33x50000xf32, #tpu.memory_space<hbm>> -> memref<32x128xf32, #tpu.memory_space<hbm>>
        %dma_start3A_44 = arith.constant 0 : i32
        %dma_start3A_45 = tpu.memref_slice %arg2[%dma_start3A_44, %mul3A_41] : memref<33x50000xf32, #tpu.memory_space<hbm>> -> memref<32x128xf32, #tpu.memory_space<hbm>>
        tpu.enqueue_dma source(%dma_start3A_45 : memref<32x128xf32, #tpu.memory_space<hbm>>) target(%arg7 : memref<32x128xf32, #tpu.memory_space<vmem>>) target_semaphore(%arg12 : memref<!tpu.dma_semaphore, #tpu.memory_space<semaphore_mem>>)
      } else {
      }
      %lt3A_25 = arith.constant 390 : i32
      %lt3A_26 = arith.cmpi slt, %add3A_16, %lt3A_25 : i32
      %convert_element_type3A_27 = arith.extui %lt3A_26 : i1 to i32
      %cond3A_28 = arith.constant 0 : i32
      %cond3A_29 = arith.cmpi ne, %convert_element_type3A_27, %cond3A_28 : i32
      scf.if %cond3A_29 {
        %mul3A_40 = arith.constant 128 : i32
        %mul3A_41 = arith.muli %add3A_16, %mul3A_40 : i32
        %dma_wait3A = arith.constant 0 : i32
        %dma_wait3A_42 = tpu.memref_slice %arg2[%dma_wait3A, %mul3A_41] : memref<33x50000xf32, #tpu.memory_space<hbm>> -> memref<32x128xf32, #tpu.memory_space<hbm>>
        %dma_wait3A_43 = arith.constant 0 : i32
        %dma_wait3A_44 = tpu.memref_slice %arg2[%dma_wait3A_43, %mul3A_41] : memref<33x50000xf32, #tpu.memory_space<hbm>> -> memref<32x128xf32, #tpu.memory_space<hbm>>
        tpu.wait_dma2 semaphore(%arg11 : memref<!tpu.dma_semaphore, #tpu.memory_space<semaphore_mem>>) src(%dma_wait3A_44 : memref<32x128xf32, #tpu.memory_space<hbm>>) dst(%arg6 : memref<32x128xf32, #tpu.memory_space<vmem>>)
        %scan3A_45 = arith.constant 0 : i32
        %scan3A_46 = arith.constant 0 : i32
        %scan3A_47 = arith.constant 8 : i32
        %scan3A_48 = arith.addi %scan3A_46, %scan3A_47 : i32
        %scan3A_49 = arith.constant 1 : i32
        scf.for %scan3A_53 = %scan3A_46 to %scan3A_48 step %scan3A_49  : i32 {
          %mul3A_54 = arith.constant 16 : i32
          %mul3A_55 = arith.muli %scan3A_53, %mul3A_54 : i32
          %get3A = arith.constant 0 : index
          %get3A_56 = tpu.vector_load %arg10[%get3A] {strides = array<i32>} : memref<16xf32, #tpu.memory_space<vmem>>, vector<16xf32>,
          %get3A_57 = vector.shape_cast %get3A_56 : vector<16xf32> to vector<16xf32>
          %broadcast_in_dim3A = arith.constant 0.000000e+00 : f32
          %broadcast_in_dim3A_58 = vector.broadcast %broadcast_in_dim3A : f32 to vector<16xf32>
          %broadcast_in_dim3A_59 = arith.constant 0.000000e+00 : f32
          %broadcast_in_dim3A_60 = vector.broadcast %broadcast_in_dim3A_59 : f32 to vector<16xf32>
          %broadcast_in_dim3A_61 = arith.constant 0.000000e+00 : f32
          %broadcast_in_dim3A_62 = vector.broadcast %broadcast_in_dim3A_61 : f32 to vector<16xf32>
          %mul3A_63 = arith.constant 16 : i32
          %mul3A_64 = arith.muli %scan3A_53, %mul3A_63 : i32
          %get3A_65 = arith.constant 0 : i32
          %get3A_66 = arith.index_cast %get3A_65 : i32 to index
          %get3A_67 = arith.index_cast %mul3A_64 : i32 to index
          %get3A_68 = tpu.vector_load %arg6[%get3A_66, %get3A_67] {strides = array<i32>} : memref<32x128xf32, #tpu.memory_space<vmem>>, vector<1x16xf32>,
          %get3A_69 = vector.shape_cast %get3A_68 : vector<1x16xf32> to vector<16xf32>
          %add3A_70 = arith.addf %get3A_57, %get3A_69 : vector<16xf32>
          %mul3A_71 = arith.constant 16 : i32
          %mul3A_72 = arith.muli %scan3A_53, %mul3A_71 : i32
          %get3A_73 = arith.constant 1 : i32
          %get3A_74 = arith.index_cast %get3A_73 : i32 to index
          %get3A_75 = arith.index_cast %mul3A_72 : i32 to index
          %get3A_76 = tpu.vector_load %arg6[%get3A_74, %get3A_75] {strides = array<i32>} : memref<32x128xf32, #tpu.memory_space<vmem>>, vector<1x16xf32>,
          %get3A_77 = vector.shape_cast %get3A_76 : vector<1x16xf32> to vector<16xf32>
          %add3A_78 = arith.addf %broadcast_in_dim3A_58, %get3A_77 : vector<16xf32>
          %mul3A_79 = arith.constant 16 : i32
          %mul3A_80 = arith.muli %scan3A_53, %mul3A_79 : i32
          %get3A_81 = arith.constant 2 : i32
          %get3A_82 = arith.index_cast %get3A_81 : i32 to index
          %get3A_83 = arith.index_cast %mul3A_80 : i32 to index
          %get3A_84 = tpu.vector_load %arg6[%get3A_82, %get3A_83] {strides = array<i32>} : memref<32x128xf32, #tpu.memory_space<vmem>>, vector<1x16xf32>,
          %get3A_85 = vector.shape_cast %get3A_84 : vector<1x16xf32> to vector<16xf32>
          %add3A_86 = arith.addf %broadcast_in_dim3A_60, %get3A_85 : vector<16xf32>
          %mul3A_87 = arith.constant 16 : i32
          %mul3A_88 = arith.muli %scan3A_53, %mul3A_87 : i32
          %get3A_89 = arith.constant 3 : i32
          %get3A_90 = arith.index_cast %get3A_89 : i32 to index
          %get3A_91 = arith.index_cast %mul3A_88 : i32 to index
          %get3A_92 = tpu.vector_load %arg6[%get3A_90, %get3A_91] {strides = array<i32>} : memref<32x128xf32, #tpu.memory_space<vmem>>, vector<1x16xf32>,
          %get3A_93 = vector.shape_cast %get3A_92 : vector<1x16xf32> to vector<16xf32>
          %add3A_94 = arith.addf %broadcast_in_dim3A_62, %get3A_93 : vector<16xf32>
          %mul3A_95 = arith.constant 16 : i32
          %mul3A_96 = arith.muli %scan3A_53, %mul3A_95 : i32
          %get3A_97 = arith.constant 4 : i32
          %get3A_98 = arith.index_cast %get3A_97 : i32 to index
          %get3A_99 = arith.index_cast %mul3A_96 : i32 to index
          %get3A_100 = tpu.vector_load %arg6[%get3A_98, %get3A_99] {strides = array<i32>} : memref<32x128xf32, #tpu.memory_space<vmem>>, vector<1x16xf32>,
          %get3A_101 = vector.shape_cast %get3A_100 : vector<1x16xf32> to vector<16xf32>
          %add3A_102 = arith.addf %add3A_70, %get3A_101 : vector<16xf32>
          %mul3A_103 = arith.constant 16 : i32
          %mul3A_104 = arith.muli %scan3A_53, %mul3A_103 : i32
          %get3A_105 = arith.constant 5 : i32
          %get3A_106 = arith.index_cast %get3A_105 : i32 to index
          %get3A_107 = arith.index_cast %mul3A_104 : i32 to index
          %get3A_108 = tpu.vector_load %arg6[%get3A_106, %get3A_107] {strides = array<i32>} : memref<32x128xf32, #tpu.memory_space<vmem>>, vector<1x16xf32>,
          %get3A_109 = vector.shape_cast %get3A_108 : vector<1x16xf32> to vector<16xf32>
          %add3A_110 = arith.addf %add3A_78, %get3A_109 : vector<16xf32>
          %mul3A_111 = arith.constant 16 : i32
          %mul3A_112 = arith.muli %scan3A_53, %mul3A_111 : i32
          %get3A_113 = arith.constant 6 : i32
          %get3A_114 = arith.index_cast %get3A_113 : i32 to index
          %get3A_115 = arith.index_cast %mul3A_112 : i32 to index
          %get3A_116 = tpu.vector_load %arg6[%get3A_114, %get3A_115] {strides = array<i32>} : memref<32x128xf32, #tpu.memory_space<vmem>>, vector<1x16xf32>,
          %get3A_117 = vector.shape_cast %get3A_116 : vector<1x16xf32> to vector<16xf32>
          %add3A_118 = arith.addf %add3A_86, %get3A_117 : vector<16xf32>
          %mul3A_119 = arith.constant 16 : i32
          %mul3A_120 = arith.muli %scan3A_53, %mul3A_119 : i32
          %get3A_121 = arith.constant 7 : i32
          %get3A_122 = arith.index_cast %get3A_121 : i32 to index
          %get3A_123 = arith.index_cast %mul3A_120 : i32 to index
          %get3A_124 = tpu.vector_load %arg6[%get3A_122, %get3A_123] {strides = array<i32>} : memref<32x128xf32, #tpu.memory_space<vmem>>, vector<1x16xf32>,
          %get3A_125 = vector.shape_cast %get3A_124 : vector<1x16xf32> to vector<16xf32>
          %add3A_126 = arith.addf %add3A_94, %get3A_125 : vector<16xf32>
          %mul3A_127 = arith.constant 16 : i32
          %mul3A_128 = arith.muli %scan3A_53, %mul3A_127 : i32
          %get3A_129 = arith.constant 8 : i32
          %get3A_130 = arith.index_cast %get3A_129 : i32 to index
          %get3A_131 = arith.index_cast %mul3A_128 : i32 to index
          %get3A_132 = tpu.vector_load %arg6[%get3A_130, %get3A_131] {strides = array<i32>} : memref<32x128xf32, #tpu.memory_space<vmem>>, vector<1x16xf32>,
          %get3A_133 = vector.shape_cast %get3A_132 : vector<1x16xf32> to vector<16xf32>
          %add3A_134 = arith.addf %add3A_102, %get3A_133 : vector<16xf32>
          %mul3A_135 = arith.constant 16 : i32
          %mul3A_136 = arith.muli %scan3A_53, %mul3A_135 : i32
          %get3A_137 = arith.constant 9 : i32
          %get3A_138 = arith.index_cast %get3A_137 : i32 to index
          %get3A_139 = arith.index_cast %mul3A_136 : i32 to index
          %get3A_140 = tpu.vector_load %arg6[%get3A_138, %get3A_139] {strides = array<i32>} : memref<32x128xf32, #tpu.memory_space<vmem>>, vector<1x16xf32>,
          %get3A_141 = vector.shape_cast %get3A_140 : vector<1x16xf32> to vector<16xf32>
          %add3A_142 = arith.addf %add3A_110, %get3A_141 : vector<16xf32>
          %mul3A_143 = arith.constant 16 : i32
          %mul3A_144 = arith.muli %scan3A_53, %mul3A_143 : i32
          %get3A_145 = arith.constant 10 : i32
          %get3A_146 = arith.index_cast %get3A_145 : i32 to index
          %get3A_147 = arith.index_cast %mul3A_144 : i32 to index
          %get3A_148 = tpu.vector_load %arg6[%get3A_146, %get3A_147] {strides = array<i32>} : memref<32x128xf32, #tpu.memory_space<vmem>>, vector<1x16xf32>,
          %get3A_149 = vector.shape_cast %get3A_148 : vector<1x16xf32> to vector<16xf32>
          %add3A_150 = arith.addf %add3A_118, %get3A_149 : vector<16xf32>
          %mul3A_151 = arith.constant 16 : i32
          %mul3A_152 = arith.muli %scan3A_53, %mul3A_151 : i32
          %get3A_153 = arith.constant 11 : i32
          %get3A_154 = arith.index_cast %get3A_153 : i32 to index
          %get3A_155 = arith.index_cast %mul3A_152 : i32 to index
          %get3A_156 = tpu.vector_load %arg6[%get3A_154, %get3A_155] {strides = array<i32>} : memref<32x128xf32, #tpu.memory_space<vmem>>, vector<1x16xf32>,
          %get3A_157 = vector.shape_cast %get3A_156 : vector<1x16xf32> to vector<16xf32>
          %add3A_158 = arith.addf %add3A_126, %get3A_157 : vector<16xf32>
          %mul3A_159 = arith.constant 16 : i32
          %mul3A_160 = arith.muli %scan3A_53, %mul3A_159 : i32
          %get3A_161 = arith.constant 12 : i32
          %get3A_162 = arith.index_cast %get3A_161 : i32 to index
          %get3A_163 = arith.index_cast %mul3A_160 : i32 to index
          %get3A_164 = tpu.vector_load %arg6[%get3A_162, %get3A_163] {strides = array<i32>} : memref<32x128xf32, #tpu.memory_space<vmem>>, vector<1x16xf32>,
          %get3A_165 = vector.shape_cast %get3A_164 : vector<1x16xf32> to vector<16xf32>
          %add3A_166 = arith.addf %add3A_134, %get3A_165 : vector<16xf32>
          %mul3A_167 = arith.constant 16 : i32
          %mul3A_168 = arith.muli %scan3A_53, %mul3A_167 : i32
          %get3A_169 = arith.constant 13 : i32
          %get3A_170 = arith.index_cast %get3A_169 : i32 to index
          %get3A_171 = arith.index_cast %mul3A_168 : i32 to index
          %get3A_172 = tpu.vector_load %arg6[%get3A_170, %get3A_171] {strides = array<i32>} : memref<32x128xf32, #tpu.memory_space<vmem>>, vector<1x16xf32>,
          %get3A_173 = vector.shape_cast %get3A_172 : vector<1x16xf32> to vector<16xf32>
          %add3A_174 = arith.addf %add3A_142, %get3A_173 : vector<16xf32>
          %mul3A_175 = arith.constant 16 : i32
          %mul3A_176 = arith.muli %scan3A_53, %mul3A_175 : i32
          %get3A_177 = arith.constant 14 : i32
          %get3A_178 = arith.index_cast %get3A_177 : i32 to index
          %get3A_179 = arith.index_cast %mul3A_176 : i32 to index
          %get3A_180 = tpu.vector_load %arg6[%get3A_178, %get3A_179] {strides = array<i32>} : memref<32x128xf32, #tpu.memory_space<vmem>>, vector<1x16xf32>,
          %get3A_181 = vector.shape_cast %get3A_180 : vector<1x16xf32> to vector<16xf32>
          %add3A_182 = arith.addf %add3A_150, %get3A_181 : vector<16xf32>
          %mul3A_183 = arith.constant 16 : i32
          %mul3A_184 = arith.muli %scan3A_53, %mul3A_183 : i32
          %get3A_185 = arith.constant 15 : i32
          %get3A_186 = arith.index_cast %get3A_185 : i32 to index
          %get3A_187 = arith.index_cast %mul3A_184 : i32 to index
          %get3A_188 = tpu.vector_load %arg6[%get3A_186, %get3A_187] {strides = array<i32>} : memref<32x128xf32, #tpu.memory_space<vmem>>, vector<1x16xf32>,
          %get3A_189 = vector.shape_cast %get3A_188 : vector<1x16xf32> to vector<16xf32>
          %add3A_190 = arith.addf %add3A_158, %get3A_189 : vector<16xf32>
          %mul3A_191 = arith.constant 16 : i32
          %mul3A_192 = arith.muli %scan3A_53, %mul3A_191 : i32
          %get3A_193 = arith.constant 16 : i32
          %get3A_194 = arith.index_cast %get3A_193 : i32 to index
          %get3A_195 = arith.index_cast %mul3A_192 : i32 to index
          %get3A_196 = tpu.vector_load %arg6[%get3A_194, %get3A_195] {strides = array<i32>} : memref<32x128xf32, #tpu.memory_space<vmem>>, vector<1x16xf32>,
          %get3A_197 = vector.shape_cast %get3A_196 : vector<1x16xf32> to vector<16xf32>
          %add3A_198 = arith.addf %add3A_166, %get3A_197 : vector<16xf32>
          %mul3A_199 = arith.constant 16 : i32
          %mul3A_200 = arith.muli %scan3A_53, %mul3A_199 : i32
          %get3A_201 = arith.constant 17 : i32
          %get3A_202 = arith.index_cast %get3A_201 : i32 to index
          %get3A_203 = arith.index_cast %mul3A_200 : i32 to index
          %get3A_204 = tpu.vector_load %arg6[%get3A_202, %get3A_203] {strides = array<i32>} : memref<32x128xf32, #tpu.memory_space<vmem>>, vector<1x16xf32>,
          %get3A_205 = vector.shape_cast %get3A_204 : vector<1x16xf32> to vector<16xf32>
          %add3A_206 = arith.addf %add3A_174, %get3A_205 : vector<16xf32>
          %mul3A_207 = arith.constant 16 : i32
          %mul3A_208 = arith.muli %scan3A_53, %mul3A_207 : i32
          %get3A_209 = arith.constant 18 : i32
          %get3A_210 = arith.index_cast %get3A_209 : i32 to index
          %get3A_211 = arith.index_cast %mul3A_208 : i32 to index
          %get3A_212 = tpu.vector_load %arg6[%get3A_210, %get3A_211] {strides = array<i32>} : memref<32x128xf32, #tpu.memory_space<vmem>>, vector<1x16xf32>,
          %get3A_213 = vector.shape_cast %get3A_212 : vector<1x16xf32> to vector<16xf32>
          %add3A_214 = arith.addf %add3A_182, %get3A_213 : vector<16xf32>
          %mul3A_215 = arith.constant 16 : i32
          %mul3A_216 = arith.muli %scan3A_53, %mul3A_215 : i32
          %get3A_217 = arith.constant 19 : i32
          %get3A_218 = arith.index_cast %get3A_217 : i32 to index
          %get3A_219 = arith.index_cast %mul3A_216 : i32 to index
          %get3A_220 = tpu.vector_load %arg6[%get3A_218, %get3A_219] {strides = array<i32>} : memref<32x128xf32, #tpu.memory_space<vmem>>, vector<1x16xf32>,
          %get3A_221 = vector.shape_cast %get3A_220 : vector<1x16xf32> to vector<16xf32>
          %add3A_222 = arith.addf %add3A_190, %get3A_221 : vector<16xf32>
          %mul3A_223 = arith.constant 16 : i32
          %mul3A_224 = arith.muli %scan3A_53, %mul3A_223 : i32
          %get3A_225 = arith.constant 20 : i32
          %get3A_226 = arith.index_cast %get3A_225 : i32 to index
          %get3A_227 = arith.index_cast %mul3A_224 : i32 to index
          %get3A_228 = tpu.vector_load %arg6[%get3A_226, %get3A_227] {strides = array<i32>} : memref<32x128xf32, #tpu.memory_space<vmem>>, vector<1x16xf32>,
          %get3A_229 = vector.shape_cast %get3A_228 : vector<1x16xf32> to vector<16xf32>
          %add3A_230 = arith.addf %add3A_198, %get3A_229 : vector<16xf32>
          %mul3A_231 = arith.constant 16 : i32
          %mul3A_232 = arith.muli %scan3A_53, %mul3A_231 : i32
          %get3A_233 = arith.constant 21 : i32
          %get3A_234 = arith.index_cast %get3A_233 : i32 to index
          %get3A_235 = arith.index_cast %mul3A_232 : i32 to index
          %get3A_236 = tpu.vector_load %arg6[%get3A_234, %get3A_235] {strides = array<i32>} : memref<32x128xf32, #tpu.memory_space<vmem>>, vector<1x16xf32>,
          %get3A_237 = vector.shape_cast %get3A_236 : vector<1x16xf32> to vector<16xf32>
          %add3A_238 = arith.addf %add3A_206, %get3A_237 : vector<16xf32>
          %mul3A_239 = arith.constant 16 : i32
          %mul3A_240 = arith.muli %scan3A_53, %mul3A_239 : i32
          %get3A_241 = arith.constant 22 : i32
          %get3A_242 = arith.index_cast %get3A_241 : i32 to index
          %get3A_243 = arith.index_cast %mul3A_240 : i32 to index
          %get3A_244 = tpu.vector_load %arg6[%get3A_242, %get3A_243] {strides = array<i32>} : memref<32x128xf32, #tpu.memory_space<vmem>>, vector<1x16xf32>,
          %get3A_245 = vector.shape_cast %get3A_244 : vector<1x16xf32> to vector<16xf32>
          %add3A_246 = arith.addf %add3A_214, %get3A_245 : vector<16xf32>
          %mul3A_247 = arith.constant 16 : i32
          %mul3A_248 = arith.muli %scan3A_53, %mul3A_247 : i32
          %get3A_249 = arith.constant 23 : i32
          %get3A_250 = arith.index_cast %get3A_249 : i32 to index
          %get3A_251 = arith.index_cast %mul3A_248 : i32 to index
          %get3A_252 = tpu.vector_load %arg6[%get3A_250, %get3A_251] {strides = array<i32>} : memref<32x128xf32, #tpu.memory_space<vmem>>, vector<1x16xf32>,
          %get3A_253 = vector.shape_cast %get3A_252 : vector<1x16xf32> to vector<16xf32>
          %add3A_254 = arith.addf %add3A_222, %get3A_253 : vector<16xf32>
          %mul3A_255 = arith.constant 16 : i32
          %mul3A_256 = arith.muli %scan3A_53, %mul3A_255 : i32
          %get3A_257 = arith.constant 24 : i32
          %get3A_258 = arith.index_cast %get3A_257 : i32 to index
          %get3A_259 = arith.index_cast %mul3A_256 : i32 to index
          %get3A_260 = tpu.vector_load %arg6[%get3A_258, %get3A_259] {strides = array<i32>} : memref<32x128xf32, #tpu.memory_space<vmem>>, vector<1x16xf32>,
          %get3A_261 = vector.shape_cast %get3A_260 : vector<1x16xf32> to vector<16xf32>
          %add3A_262 = arith.addf %add3A_230, %get3A_261 : vector<16xf32>
          %mul3A_263 = arith.constant 16 : i32
          %mul3A_264 = arith.muli %scan3A_53, %mul3A_263 : i32
          %get3A_265 = arith.constant 25 : i32
          %get3A_266 = arith.index_cast %get3A_265 : i32 to index
          %get3A_267 = arith.index_cast %mul3A_264 : i32 to index
          %get3A_268 = tpu.vector_load %arg6[%get3A_266, %get3A_267] {strides = array<i32>} : memref<32x128xf32, #tpu.memory_space<vmem>>, vector<1x16xf32>,
          %get3A_269 = vector.shape_cast %get3A_268 : vector<1x16xf32> to vector<16xf32>
          %add3A_270 = arith.addf %add3A_238, %get3A_269 : vector<16xf32>
          %mul3A_271 = arith.constant 16 : i32
          %mul3A_272 = arith.muli %scan3A_53, %mul3A_271 : i32
          %get3A_273 = arith.constant 26 : i32
          %get3A_274 = arith.index_cast %get3A_273 : i32 to index
          %get3A_275 = arith.index_cast %mul3A_272 : i32 to index
          %get3A_276 = tpu.vector_load %arg6[%get3A_274, %get3A_275] {strides = array<i32>} : memref<32x128xf32, #tpu.memory_space<vmem>>, vector<1x16xf32>,
          %get3A_277 = vector.shape_cast %get3A_276 : vector<1x16xf32> to vector<16xf32>
          %add3A_278 = arith.addf %add3A_246, %get3A_277 : vector<16xf32>
          %mul3A_279 = arith.constant 16 : i32
          %mul3A_280 = arith.muli %scan3A_53, %mul3A_279 : i32
          %get3A_281 = arith.constant 27 : i32
          %get3A_282 = arith.index_cast %get3A_281 : i32 to index
          %get3A_283 = arith.index_cast %mul3A_280 : i32 to index
          %get3A_284 = tpu.vector_load %arg6[%get3A_282, %get3A_283] {strides = array<i32>} : memref<32x128xf32, #tpu.memory_space<vmem>>, vector<1x16xf32>,
          %get3A_285 = vector.shape_cast %get3A_284 : vector<1x16xf32> to vector<16xf32>
          %add3A_286 = arith.addf %add3A_254, %get3A_285 : vector<16xf32>
          %mul3A_287 = arith.constant 16 : i32
          %mul3A_288 = arith.muli %scan3A_53, %mul3A_287 : i32
          %get3A_289 = arith.constant 28 : i32
          %get3A_290 = arith.index_cast %get3A_289 : i32 to index
          %get3A_291 = arith.index_cast %mul3A_288 : i32 to index
          %get3A_292 = tpu.vector_load %arg6[%get3A_290, %get3A_291] {strides = array<i32>} : memref<32x128xf32, #tpu.memory_space<vmem>>, vector<1x16xf32>,
          %get3A_293 = vector.shape_cast %get3A_292 : vector<1x16xf32> to vector<16xf32>
          %add3A_294 = arith.addf %add3A_262, %get3A_293 : vector<16xf32>
          %mul3A_295 = arith.constant 16 : i32
          %mul3A_296 = arith.muli %scan3A_53, %mul3A_295 : i32
          %get3A_297 = arith.constant 29 : i32
          %get3A_298 = arith.index_cast %get3A_297 : i32 to index
          %get3A_299 = arith.index_cast %mul3A_296 : i32 to index
          %get3A_300 = tpu.vector_load %arg6[%get3A_298, %get3A_299] {strides = array<i32>} : memref<32x128xf32, #tpu.memory_space<vmem>>, vector<1x16xf32>,
          %get3A_301 = vector.shape_cast %get3A_300 : vector<1x16xf32> to vector<16xf32>
          %add3A_302 = arith.addf %add3A_270, %get3A_301 : vector<16xf32>
          %mul3A_303 = arith.constant 16 : i32
          %mul3A_304 = arith.muli %scan3A_53, %mul3A_303 : i32
          %get3A_305 = arith.constant 30 : i32
          %get3A_306 = arith.index_cast %get3A_305 : i32 to index
          %get3A_307 = arith.index_cast %mul3A_304 : i32 to index
          %get3A_308 = tpu.vector_load %arg6[%get3A_306, %get3A_307] {strides = array<i32>} : memref<32x128xf32, #tpu.memory_space<vmem>>, vector<1x16xf32>,
          %get3A_309 = vector.shape_cast %get3A_308 : vector<1x16xf32> to vector<16xf32>
          %add3A_310 = arith.addf %add3A_278, %get3A_309 : vector<16xf32>
          %mul3A_311 = arith.constant 16 : i32
          %mul3A_312 = arith.muli %scan3A_53, %mul3A_311 : i32
          %get3A_313 = arith.constant 31 : i32
          %get3A_314 = arith.index_cast %get3A_313 : i32 to index
          %get3A_315 = arith.index_cast %mul3A_312 : i32 to index
          %get3A_316 = tpu.vector_load %arg6[%get3A_314, %get3A_315] {strides = array<i32>} : memref<32x128xf32, #tpu.memory_space<vmem>>, vector<1x16xf32>,
          %get3A_317 = vector.shape_cast %get3A_316 : vector<1x16xf32> to vector<16xf32>
          %add3A_318 = arith.addf %add3A_286, %get3A_317 : vector<16xf32>
          %add3A_319 = arith.addf %add3A_294, %add3A_302 : vector<16xf32>
          %add3A_320 = arith.addf %add3A_310, %add3A_318 : vector<16xf32>
          %add3A_321 = arith.addf %add3A_319, %add3A_320 : vector<16xf32>
          %swap3A = arith.index_cast %mul3A_55 : i32 to index
          %swap3A_322 = tpu.vector_load %arg9[%swap3A] {strides = array<i32>} : memref<128xf32, #tpu.memory_space<vmem>>, vector<16xf32>,
          %swap3A_323 = vector.shape_cast %swap3A_322 : vector<16xf32> to vector<16xf32>
          %swap3A_324 = vector.shape_cast %add3A_321 : vector<16xf32> to vector<16xf32>
          tpu.vector_store %arg9[%swap3A], %swap3A_324 {strides = array<i32>} : memref<128xf32, #tpu.memory_space<vmem>>, vector<16xf32>,
        }
        %scan3A_50 = arith.constant 8 : i32
        %mul3A_51 = arith.constant 128 : i32
        %mul3A_52 = arith.muli %add3A_16, %mul3A_51 : i32
        "tpu.region"() ({
          %run_scoped3A = tpu.sem_alloc : memref<!tpu.dma_semaphore, #tpu.memory_space<semaphore_mem>>
          %dma_start3A_53 = tpu.memref_slice %arg5[%mul3A_52] : memref<50000xf32, #tpu.memory_space<hbm>> -> memref<128xf32, #tpu.memory_space<hbm>>
          %dma_start3A_54 = tpu.memref_slice %arg5[%mul3A_52] : memref<50000xf32, #tpu.memory_space<hbm>> -> memref<128xf32, #tpu.memory_space<hbm>>
          tpu.enqueue_dma source(%arg9 : memref<128xf32, #tpu.memory_space<vmem>>) target(%dma_start3A_54 : memref<128xf32, #tpu.memory_space<hbm>>) target_semaphore(%run_scoped3A : memref<!tpu.dma_semaphore, #tpu.memory_space<semaphore_mem>>)
          %dma_wait3A_55 = tpu.memref_slice %arg5[%mul3A_52] : memref<50000xf32, #tpu.memory_space<hbm>> -> memref<128xf32, #tpu.memory_space<hbm>>
          %dma_wait3A_56 = tpu.memref_slice %arg5[%mul3A_52] : memref<50000xf32, #tpu.memory_space<hbm>> -> memref<128xf32, #tpu.memory_space<hbm>>
          tpu.wait_dma2 semaphore(%run_scoped3A : memref<!tpu.dma_semaphore, #tpu.memory_space<semaphore_mem>>) src(%arg9 : memref<128xf32, #tpu.memory_space<vmem>>) dst(%dma_wait3A_56 : memref<128xf32, #tpu.memory_space<hbm>>)
          tpu.yield
        }) : () -> ()
      } else {
      }
      %lt3A_30 = arith.constant 390 : i32
      %lt3A_31 = arith.cmpi slt, %add3A_20, %lt3A_30 : i32
      %convert_element_type3A_32 = arith.extui %lt3A_31 : i1 to i32
      %cond3A_33 = arith.constant 0 : i32
      %cond3A_34 = arith.cmpi ne, %convert_element_type3A_32, %cond3A_33 : i32
      scf.if %cond3A_34 {
        %mul3A_40 = arith.constant 128 : i32
        %mul3A_41 = arith.muli %add3A_20, %mul3A_40 : i32
        %dma_start3A_42 = arith.constant 0 : i32
        %dma_start3A_43 = tpu.memref_slice %arg2[%dma_start3A_42, %mul3A_41] : memref<33x50000xf32, #tpu.memory_space<hbm>> -> memref<32x128xf32, #tpu.memory_space<hbm>>
        %dma_start3A_44 = arith.constant 0 : i32
        %dma_start3A_45 = tpu.memref_slice %arg2[%dma_start3A_44, %mul3A_41] : memref<33x50000xf32, #tpu.memory_space<hbm>> -> memref<32x128xf32, #tpu.memory_space<hbm>>
        tpu.enqueue_dma source(%dma_start3A_45 : memref<32x128xf32, #tpu.memory_space<hbm>>) target(%arg6 : memref<32x128xf32, #tpu.memory_space<vmem>>) target_semaphore(%arg11 : memref<!tpu.dma_semaphore, #tpu.memory_space<semaphore_mem>>)
      } else {
      }
      %lt3A_35 = arith.constant 390 : i32
      %lt3A_36 = arith.cmpi slt, %add3A_18, %lt3A_35 : i32
      %convert_element_type3A_37 = arith.extui %lt3A_36 : i1 to i32
      %cond3A_38 = arith.constant 0 : i32
      %cond3A_39 = arith.cmpi ne, %convert_element_type3A_37, %cond3A_38 : i32
      scf.if %cond3A_39 {
        %mul3A_40 = arith.constant 128 : i32
        %mul3A_41 = arith.muli %add3A_18, %mul3A_40 : i32
        %dma_wait3A = arith.constant 0 : i32
        %dma_wait3A_42 = tpu.memref_slice %arg2[%dma_wait3A, %mul3A_41] : memref<33x50000xf32, #tpu.memory_space<hbm>> -> memref<32x128xf32, #tpu.memory_space<hbm>>
        %dma_wait3A_43 = arith.constant 0 : i32
        %dma_wait3A_44 = tpu.memref_slice %arg2[%dma_wait3A_43, %mul3A_41] : memref<33x50000xf32, #tpu.memory_space<hbm>> -> memref<32x128xf32, #tpu.memory_space<hbm>>
        tpu.wait_dma2 semaphore(%arg12 : memref<!tpu.dma_semaphore, #tpu.memory_space<semaphore_mem>>) src(%dma_wait3A_44 : memref<32x128xf32, #tpu.memory_space<hbm>>) dst(%arg7 : memref<32x128xf32, #tpu.memory_space<vmem>>)
        %scan3A_45 = arith.constant 0 : i32
        %scan3A_46 = arith.constant 0 : i32
        %scan3A_47 = arith.constant 8 : i32
        %scan3A_48 = arith.addi %scan3A_46, %scan3A_47 : i32
        %scan3A_49 = arith.constant 1 : i32
        scf.for %scan3A_53 = %scan3A_46 to %scan3A_48 step %scan3A_49  : i32 {
          %mul3A_54 = arith.constant 16 : i32
          %mul3A_55 = arith.muli %scan3A_53, %mul3A_54 : i32
          %get3A = arith.constant 0 : index
          %get3A_56 = tpu.vector_load %arg10[%get3A] {strides = array<i32>} : memref<16xf32, #tpu.memory_space<vmem>>, vector<16xf32>,
          %get3A_57 = vector.shape_cast %get3A_56 : vector<16xf32> to vector<16xf32>
          %broadcast_in_dim3A = arith.constant 0.000000e+00 : f32
          %broadcast_in_dim3A_58 = vector.broadcast %broadcast_in_dim3A : f32 to vector<16xf32>
          %broadcast_in_dim3A_59 = arith.constant 0.000000e+00 : f32
          %broadcast_in_dim3A_60 = vector.broadcast %broadcast_in_dim3A_59 : f32 to vector<16xf32>
          %broadcast_in_dim3A_61 = arith.constant 0.000000e+00 : f32
          %broadcast_in_dim3A_62 = vector.broadcast %broadcast_in_dim3A_61 : f32 to vector<16xf32>
          %mul3A_63 = arith.constant 16 : i32
          %mul3A_64 = arith.muli %scan3A_53, %mul3A_63 : i32
          %get3A_65 = arith.constant 0 : i32
          %get3A_66 = arith.index_cast %get3A_65 : i32 to index
          %get3A_67 = arith.index_cast %mul3A_64 : i32 to index
          %get3A_68 = tpu.vector_load %arg7[%get3A_66, %get3A_67] {strides = array<i32>} : memref<32x128xf32, #tpu.memory_space<vmem>>, vector<1x16xf32>,
          %get3A_69 = vector.shape_cast %get3A_68 : vector<1x16xf32> to vector<16xf32>
          %add3A_70 = arith.addf %get3A_57, %get3A_69 : vector<16xf32>
          %mul3A_71 = arith.constant 16 : i32
          %mul3A_72 = arith.muli %scan3A_53, %mul3A_71 : i32
          %get3A_73 = arith.constant 1 : i32
          %get3A_74 = arith.index_cast %get3A_73 : i32 to index
          %get3A_75 = arith.index_cast %mul3A_72 : i32 to index
          %get3A_76 = tpu.vector_load %arg7[%get3A_74, %get3A_75] {strides = array<i32>} : memref<32x128xf32, #tpu.memory_space<vmem>>, vector<1x16xf32>,
          %get3A_77 = vector.shape_cast %get3A_76 : vector<1x16xf32> to vector<16xf32>
          %add3A_78 = arith.addf %broadcast_in_dim3A_58, %get3A_77 : vector<16xf32>
          %mul3A_79 = arith.constant 16 : i32
          %mul3A_80 = arith.muli %scan3A_53, %mul3A_79 : i32
          %get3A_81 = arith.constant 2 : i32
          %get3A_82 = arith.index_cast %get3A_81 : i32 to index
          %get3A_83 = arith.index_cast %mul3A_80 : i32 to index
          %get3A_84 = tpu.vector_load %arg7[%get3A_82, %get3A_83] {strides = array<i32>} : memref<32x128xf32, #tpu.memory_space<vmem>>, vector<1x16xf32>,
          %get3A_85 = vector.shape_cast %get3A_84 : vector<1x16xf32> to vector<16xf32>
          %add3A_86 = arith.addf %broadcast_in_dim3A_60, %get3A_85 : vector<16xf32>
          %mul3A_87 = arith.constant 16 : i32
          %mul3A_88 = arith.muli %scan3A_53, %mul3A_87 : i32
          %get3A_89 = arith.constant 3 : i32
          %get3A_90 = arith.index_cast %get3A_89 : i32 to index
          %get3A_91 = arith.index_cast %mul3A_88 : i32 to index
          %get3A_92 = tpu.vector_load %arg7[%get3A_90, %get3A_91] {strides = array<i32>} : memref<32x128xf32, #tpu.memory_space<vmem>>, vector<1x16xf32>,
          %get3A_93 = vector.shape_cast %get3A_92 : vector<1x16xf32> to vector<16xf32>
          %add3A_94 = arith.addf %broadcast_in_dim3A_62, %get3A_93 : vector<16xf32>
          %mul3A_95 = arith.constant 16 : i32
          %mul3A_96 = arith.muli %scan3A_53, %mul3A_95 : i32
          %get3A_97 = arith.constant 4 : i32
          %get3A_98 = arith.index_cast %get3A_97 : i32 to index
          %get3A_99 = arith.index_cast %mul3A_96 : i32 to index
          %get3A_100 = tpu.vector_load %arg7[%get3A_98, %get3A_99] {strides = array<i32>} : memref<32x128xf32, #tpu.memory_space<vmem>>, vector<1x16xf32>,
          %get3A_101 = vector.shape_cast %get3A_100 : vector<1x16xf32> to vector<16xf32>
          %add3A_102 = arith.addf %add3A_70, %get3A_101 : vector<16xf32>
          %mul3A_103 = arith.constant 16 : i32
          %mul3A_104 = arith.muli %scan3A_53, %mul3A_103 : i32
          %get3A_105 = arith.constant 5 : i32
          %get3A_106 = arith.index_cast %get3A_105 : i32 to index
          %get3A_107 = arith.index_cast %mul3A_104 : i32 to index
          %get3A_108 = tpu.vector_load %arg7[%get3A_106, %get3A_107] {strides = array<i32>} : memref<32x128xf32, #tpu.memory_space<vmem>>, vector<1x16xf32>,
          %get3A_109 = vector.shape_cast %get3A_108 : vector<1x16xf32> to vector<16xf32>
          %add3A_110 = arith.addf %add3A_78, %get3A_109 : vector<16xf32>
          %mul3A_111 = arith.constant 16 : i32
          %mul3A_112 = arith.muli %scan3A_53, %mul3A_111 : i32
          %get3A_113 = arith.constant 6 : i32
          %get3A_114 = arith.index_cast %get3A_113 : i32 to index
          %get3A_115 = arith.index_cast %mul3A_112 : i32 to index
          %get3A_116 = tpu.vector_load %arg7[%get3A_114, %get3A_115] {strides = array<i32>} : memref<32x128xf32, #tpu.memory_space<vmem>>, vector<1x16xf32>,
          %get3A_117 = vector.shape_cast %get3A_116 : vector<1x16xf32> to vector<16xf32>
          %add3A_118 = arith.addf %add3A_86, %get3A_117 : vector<16xf32>
          %mul3A_119 = arith.constant 16 : i32
          %mul3A_120 = arith.muli %scan3A_53, %mul3A_119 : i32
          %get3A_121 = arith.constant 7 : i32
          %get3A_122 = arith.index_cast %get3A_121 : i32 to index
          %get3A_123 = arith.index_cast %mul3A_120 : i32 to index
          %get3A_124 = tpu.vector_load %arg7[%get3A_122, %get3A_123] {strides = array<i32>} : memref<32x128xf32, #tpu.memory_space<vmem>>, vector<1x16xf32>,
          %get3A_125 = vector.shape_cast %get3A_124 : vector<1x16xf32> to vector<16xf32>
          %add3A_126 = arith.addf %add3A_94, %get3A_125 : vector<16xf32>
          %mul3A_127 = arith.constant 16 : i32
          %mul3A_128 = arith.muli %scan3A_53, %mul3A_127 : i32
          %get3A_129 = arith.constant 8 : i32
          %get3A_130 = arith.index_cast %get3A_129 : i32 to index
          %get3A_131 = arith.index_cast %mul3A_128 : i32 to index
          %get3A_132 = tpu.vector_load %arg7[%get3A_130, %get3A_131] {strides = array<i32>} : memref<32x128xf32, #tpu.memory_space<vmem>>, vector<1x16xf32>,
          %get3A_133 = vector.shape_cast %get3A_132 : vector<1x16xf32> to vector<16xf32>
          %add3A_134 = arith.addf %add3A_102, %get3A_133 : vector<16xf32>
          %mul3A_135 = arith.constant 16 : i32
          %mul3A_136 = arith.muli %scan3A_53, %mul3A_135 : i32
          %get3A_137 = arith.constant 9 : i32
          %get3A_138 = arith.index_cast %get3A_137 : i32 to index
          %get3A_139 = arith.index_cast %mul3A_136 : i32 to index
          %get3A_140 = tpu.vector_load %arg7[%get3A_138, %get3A_139] {strides = array<i32>} : memref<32x128xf32, #tpu.memory_space<vmem>>, vector<1x16xf32>,
          %get3A_141 = vector.shape_cast %get3A_140 : vector<1x16xf32> to vector<16xf32>
          %add3A_142 = arith.addf %add3A_110, %get3A_141 : vector<16xf32>
          %mul3A_143 = arith.constant 16 : i32
          %mul3A_144 = arith.muli %scan3A_53, %mul3A_143 : i32
          %get3A_145 = arith.constant 10 : i32
          %get3A_146 = arith.index_cast %get3A_145 : i32 to index
          %get3A_147 = arith.index_cast %mul3A_144 : i32 to index
          %get3A_148 = tpu.vector_load %arg7[%get3A_146, %get3A_147] {strides = array<i32>} : memref<32x128xf32, #tpu.memory_space<vmem>>, vector<1x16xf32>,
          %get3A_149 = vector.shape_cast %get3A_148 : vector<1x16xf32> to vector<16xf32>
          %add3A_150 = arith.addf %add3A_118, %get3A_149 : vector<16xf32>
          %mul3A_151 = arith.constant 16 : i32
          %mul3A_152 = arith.muli %scan3A_53, %mul3A_151 : i32
          %get3A_153 = arith.constant 11 : i32
          %get3A_154 = arith.index_cast %get3A_153 : i32 to index
          %get3A_155 = arith.index_cast %mul3A_152 : i32 to index
          %get3A_156 = tpu.vector_load %arg7[%get3A_154, %get3A_155] {strides = array<i32>} : memref<32x128xf32, #tpu.memory_space<vmem>>, vector<1x16xf32>,
          %get3A_157 = vector.shape_cast %get3A_156 : vector<1x16xf32> to vector<16xf32>
          %add3A_158 = arith.addf %add3A_126, %get3A_157 : vector<16xf32>
          %mul3A_159 = arith.constant 16 : i32
          %mul3A_160 = arith.muli %scan3A_53, %mul3A_159 : i32
          %get3A_161 = arith.constant 12 : i32
          %get3A_162 = arith.index_cast %get3A_161 : i32 to index
          %get3A_163 = arith.index_cast %mul3A_160 : i32 to index
          %get3A_164 = tpu.vector_load %arg7[%get3A_162, %get3A_163] {strides = array<i32>} : memref<32x128xf32, #tpu.memory_space<vmem>>, vector<1x16xf32>,
          %get3A_165 = vector.shape_cast %get3A_164 : vector<1x16xf32> to vector<16xf32>
          %add3A_166 = arith.addf %add3A_134, %get3A_165 : vector<16xf32>
          %mul3A_167 = arith.constant 16 : i32
          %mul3A_168 = arith.muli %scan3A_53, %mul3A_167 : i32
          %get3A_169 = arith.constant 13 : i32
          %get3A_170 = arith.index_cast %get3A_169 : i32 to index
          %get3A_171 = arith.index_cast %mul3A_168 : i32 to index
          %get3A_172 = tpu.vector_load %arg7[%get3A_170, %get3A_171] {strides = array<i32>} : memref<32x128xf32, #tpu.memory_space<vmem>>, vector<1x16xf32>,
          %get3A_173 = vector.shape_cast %get3A_172 : vector<1x16xf32> to vector<16xf32>
          %add3A_174 = arith.addf %add3A_142, %get3A_173 : vector<16xf32>
          %mul3A_175 = arith.constant 16 : i32
          %mul3A_176 = arith.muli %scan3A_53, %mul3A_175 : i32
          %get3A_177 = arith.constant 14 : i32
          %get3A_178 = arith.index_cast %get3A_177 : i32 to index
          %get3A_179 = arith.index_cast %mul3A_176 : i32 to index
          %get3A_180 = tpu.vector_load %arg7[%get3A_178, %get3A_179] {strides = array<i32>} : memref<32x128xf32, #tpu.memory_space<vmem>>, vector<1x16xf32>,
          %get3A_181 = vector.shape_cast %get3A_180 : vector<1x16xf32> to vector<16xf32>
          %add3A_182 = arith.addf %add3A_150, %get3A_181 : vector<16xf32>
          %mul3A_183 = arith.constant 16 : i32
          %mul3A_184 = arith.muli %scan3A_53, %mul3A_183 : i32
          %get3A_185 = arith.constant 15 : i32
          %get3A_186 = arith.index_cast %get3A_185 : i32 to index
          %get3A_187 = arith.index_cast %mul3A_184 : i32 to index
          %get3A_188 = tpu.vector_load %arg7[%get3A_186, %get3A_187] {strides = array<i32>} : memref<32x128xf32, #tpu.memory_space<vmem>>, vector<1x16xf32>,
          %get3A_189 = vector.shape_cast %get3A_188 : vector<1x16xf32> to vector<16xf32>
          %add3A_190 = arith.addf %add3A_158, %get3A_189 : vector<16xf32>
          %mul3A_191 = arith.constant 16 : i32
          %mul3A_192 = arith.muli %scan3A_53, %mul3A_191 : i32
          %get3A_193 = arith.constant 16 : i32
          %get3A_194 = arith.index_cast %get3A_193 : i32 to index
          %get3A_195 = arith.index_cast %mul3A_192 : i32 to index
          %get3A_196 = tpu.vector_load %arg7[%get3A_194, %get3A_195] {strides = array<i32>} : memref<32x128xf32, #tpu.memory_space<vmem>>, vector<1x16xf32>,
          %get3A_197 = vector.shape_cast %get3A_196 : vector<1x16xf32> to vector<16xf32>
          %add3A_198 = arith.addf %add3A_166, %get3A_197 : vector<16xf32>
          %mul3A_199 = arith.constant 16 : i32
          %mul3A_200 = arith.muli %scan3A_53, %mul3A_199 : i32
          %get3A_201 = arith.constant 17 : i32
          %get3A_202 = arith.index_cast %get3A_201 : i32 to index
          %get3A_203 = arith.index_cast %mul3A_200 : i32 to index
          %get3A_204 = tpu.vector_load %arg7[%get3A_202, %get3A_203] {strides = array<i32>} : memref<32x128xf32, #tpu.memory_space<vmem>>, vector<1x16xf32>,
          %get3A_205 = vector.shape_cast %get3A_204 : vector<1x16xf32> to vector<16xf32>
          %add3A_206 = arith.addf %add3A_174, %get3A_205 : vector<16xf32>
          %mul3A_207 = arith.constant 16 : i32
          %mul3A_208 = arith.muli %scan3A_53, %mul3A_207 : i32
          %get3A_209 = arith.constant 18 : i32
          %get3A_210 = arith.index_cast %get3A_209 : i32 to index
          %get3A_211 = arith.index_cast %mul3A_208 : i32 to index
          %get3A_212 = tpu.vector_load %arg7[%get3A_210, %get3A_211] {strides = array<i32>} : memref<32x128xf32, #tpu.memory_space<vmem>>, vector<1x16xf32>,
          %get3A_213 = vector.shape_cast %get3A_212 : vector<1x16xf32> to vector<16xf32>
          %add3A_214 = arith.addf %add3A_182, %get3A_213 : vector<16xf32>
          %mul3A_215 = arith.constant 16 : i32
          %mul3A_216 = arith.muli %scan3A_53, %mul3A_215 : i32
          %get3A_217 = arith.constant 19 : i32
          %get3A_218 = arith.index_cast %get3A_217 : i32 to index
          %get3A_219 = arith.index_cast %mul3A_216 : i32 to index
          %get3A_220 = tpu.vector_load %arg7[%get3A_218, %get3A_219] {strides = array<i32>} : memref<32x128xf32, #tpu.memory_space<vmem>>, vector<1x16xf32>,
          %get3A_221 = vector.shape_cast %get3A_220 : vector<1x16xf32> to vector<16xf32>
          %add3A_222 = arith.addf %add3A_190, %get3A_221 : vector<16xf32>
          %mul3A_223 = arith.constant 16 : i32
          %mul3A_224 = arith.muli %scan3A_53, %mul3A_223 : i32
          %get3A_225 = arith.constant 20 : i32
          %get3A_226 = arith.index_cast %get3A_225 : i32 to index
          %get3A_227 = arith.index_cast %mul3A_224 : i32 to index
          %get3A_228 = tpu.vector_load %arg7[%get3A_226, %get3A_227] {strides = array<i32>} : memref<32x128xf32, #tpu.memory_space<vmem>>, vector<1x16xf32>,
          %get3A_229 = vector.shape_cast %get3A_228 : vector<1x16xf32> to vector<16xf32>
          %add3A_230 = arith.addf %add3A_198, %get3A_229 : vector<16xf32>
          %mul3A_231 = arith.constant 16 : i32
          %mul3A_232 = arith.muli %scan3A_53, %mul3A_231 : i32
          %get3A_233 = arith.constant 21 : i32
          %get3A_234 = arith.index_cast %get3A_233 : i32 to index
          %get3A_235 = arith.index_cast %mul3A_232 : i32 to index
          %get3A_236 = tpu.vector_load %arg7[%get3A_234, %get3A_235] {strides = array<i32>} : memref<32x128xf32, #tpu.memory_space<vmem>>, vector<1x16xf32>,
          %get3A_237 = vector.shape_cast %get3A_236 : vector<1x16xf32> to vector<16xf32>
          %add3A_238 = arith.addf %add3A_206, %get3A_237 : vector<16xf32>
          %mul3A_239 = arith.constant 16 : i32
          %mul3A_240 = arith.muli %scan3A_53, %mul3A_239 : i32
          %get3A_241 = arith.constant 22 : i32
          %get3A_242 = arith.index_cast %get3A_241 : i32 to index
          %get3A_243 = arith.index_cast %mul3A_240 : i32 to index
          %get3A_244 = tpu.vector_load %arg7[%get3A_242, %get3A_243] {strides = array<i32>} : memref<32x128xf32, #tpu.memory_space<vmem>>, vector<1x16xf32>,
          %get3A_245 = vector.shape_cast %get3A_244 : vector<1x16xf32> to vector<16xf32>
          %add3A_246 = arith.addf %add3A_214, %get3A_245 : vector<16xf32>
          %mul3A_247 = arith.constant 16 : i32
          %mul3A_248 = arith.muli %scan3A_53, %mul3A_247 : i32
          %get3A_249 = arith.constant 23 : i32
          %get3A_250 = arith.index_cast %get3A_249 : i32 to index
          %get3A_251 = arith.index_cast %mul3A_248 : i32 to index
          %get3A_252 = tpu.vector_load %arg7[%get3A_250, %get3A_251] {strides = array<i32>} : memref<32x128xf32, #tpu.memory_space<vmem>>, vector<1x16xf32>,
          %get3A_253 = vector.shape_cast %get3A_252 : vector<1x16xf32> to vector<16xf32>
          %add3A_254 = arith.addf %add3A_222, %get3A_253 : vector<16xf32>
          %mul3A_255 = arith.constant 16 : i32
          %mul3A_256 = arith.muli %scan3A_53, %mul3A_255 : i32
          %get3A_257 = arith.constant 24 : i32
          %get3A_258 = arith.index_cast %get3A_257 : i32 to index
          %get3A_259 = arith.index_cast %mul3A_256 : i32 to index
          %get3A_260 = tpu.vector_load %arg7[%get3A_258, %get3A_259] {strides = array<i32>} : memref<32x128xf32, #tpu.memory_space<vmem>>, vector<1x16xf32>,
          %get3A_261 = vector.shape_cast %get3A_260 : vector<1x16xf32> to vector<16xf32>
          %add3A_262 = arith.addf %add3A_230, %get3A_261 : vector<16xf32>
          %mul3A_263 = arith.constant 16 : i32
          %mul3A_264 = arith.muli %scan3A_53, %mul3A_263 : i32
          %get3A_265 = arith.constant 25 : i32
          %get3A_266 = arith.index_cast %get3A_265 : i32 to index
          %get3A_267 = arith.index_cast %mul3A_264 : i32 to index
          %get3A_268 = tpu.vector_load %arg7[%get3A_266, %get3A_267] {strides = array<i32>} : memref<32x128xf32, #tpu.memory_space<vmem>>, vector<1x16xf32>,
          %get3A_269 = vector.shape_cast %get3A_268 : vector<1x16xf32> to vector<16xf32>
          %add3A_270 = arith.addf %add3A_238, %get3A_269 : vector<16xf32>
          %mul3A_271 = arith.constant 16 : i32
          %mul3A_272 = arith.muli %scan3A_53, %mul3A_271 : i32
          %get3A_273 = arith.constant 26 : i32
          %get3A_274 = arith.index_cast %get3A_273 : i32 to index
          %get3A_275 = arith.index_cast %mul3A_272 : i32 to index
          %get3A_276 = tpu.vector_load %arg7[%get3A_274, %get3A_275] {strides = array<i32>} : memref<32x128xf32, #tpu.memory_space<vmem>>, vector<1x16xf32>,
          %get3A_277 = vector.shape_cast %get3A_276 : vector<1x16xf32> to vector<16xf32>
          %add3A_278 = arith.addf %add3A_246, %get3A_277 : vector<16xf32>
          %mul3A_279 = arith.constant 16 : i32
          %mul3A_280 = arith.muli %scan3A_53, %mul3A_279 : i32
          %get3A_281 = arith.constant 27 : i32
          %get3A_282 = arith.index_cast %get3A_281 : i32 to index
          %get3A_283 = arith.index_cast %mul3A_280 : i32 to index
          %get3A_284 = tpu.vector_load %arg7[%get3A_282, %get3A_283] {strides = array<i32>} : memref<32x128xf32, #tpu.memory_space<vmem>>, vector<1x16xf32>,
          %get3A_285 = vector.shape_cast %get3A_284 : vector<1x16xf32> to vector<16xf32>
          %add3A_286 = arith.addf %add3A_254, %get3A_285 : vector<16xf32>
          %mul3A_287 = arith.constant 16 : i32
          %mul3A_288 = arith.muli %scan3A_53, %mul3A_287 : i32
          %get3A_289 = arith.constant 28 : i32
          %get3A_290 = arith.index_cast %get3A_289 : i32 to index
          %get3A_291 = arith.index_cast %mul3A_288 : i32 to index
          %get3A_292 = tpu.vector_load %arg7[%get3A_290, %get3A_291] {strides = array<i32>} : memref<32x128xf32, #tpu.memory_space<vmem>>, vector<1x16xf32>,
          %get3A_293 = vector.shape_cast %get3A_292 : vector<1x16xf32> to vector<16xf32>
          %add3A_294 = arith.addf %add3A_262, %get3A_293 : vector<16xf32>
          %mul3A_295 = arith.constant 16 : i32
          %mul3A_296 = arith.muli %scan3A_53, %mul3A_295 : i32
          %get3A_297 = arith.constant 29 : i32
          %get3A_298 = arith.index_cast %get3A_297 : i32 to index
          %get3A_299 = arith.index_cast %mul3A_296 : i32 to index
          %get3A_300 = tpu.vector_load %arg7[%get3A_298, %get3A_299] {strides = array<i32>} : memref<32x128xf32, #tpu.memory_space<vmem>>, vector<1x16xf32>,
          %get3A_301 = vector.shape_cast %get3A_300 : vector<1x16xf32> to vector<16xf32>
          %add3A_302 = arith.addf %add3A_270, %get3A_301 : vector<16xf32>
          %mul3A_303 = arith.constant 16 : i32
          %mul3A_304 = arith.muli %scan3A_53, %mul3A_303 : i32
          %get3A_305 = arith.constant 30 : i32
          %get3A_306 = arith.index_cast %get3A_305 : i32 to index
          %get3A_307 = arith.index_cast %mul3A_304 : i32 to index
          %get3A_308 = tpu.vector_load %arg7[%get3A_306, %get3A_307] {strides = array<i32>} : memref<32x128xf32, #tpu.memory_space<vmem>>, vector<1x16xf32>,
          %get3A_309 = vector.shape_cast %get3A_308 : vector<1x16xf32> to vector<16xf32>
          %add3A_310 = arith.addf %add3A_278, %get3A_309 : vector<16xf32>
          %mul3A_311 = arith.constant 16 : i32
          %mul3A_312 = arith.muli %scan3A_53, %mul3A_311 : i32
          %get3A_313 = arith.constant 31 : i32
          %get3A_314 = arith.index_cast %get3A_313 : i32 to index
          %get3A_315 = arith.index_cast %mul3A_312 : i32 to index
          %get3A_316 = tpu.vector_load %arg7[%get3A_314, %get3A_315] {strides = array<i32>} : memref<32x128xf32, #tpu.memory_space<vmem>>, vector<1x16xf32>,
          %get3A_317 = vector.shape_cast %get3A_316 : vector<1x16xf32> to vector<16xf32>
          %add3A_318 = arith.addf %add3A_286, %get3A_317 : vector<16xf32>
          %add3A_319 = arith.addf %add3A_294, %add3A_302 : vector<16xf32>
          %add3A_320 = arith.addf %add3A_310, %add3A_318 : vector<16xf32>
          %add3A_321 = arith.addf %add3A_319, %add3A_320 : vector<16xf32>
          %swap3A = arith.index_cast %mul3A_55 : i32 to index
          %swap3A_322 = tpu.vector_load %arg9[%swap3A] {strides = array<i32>} : memref<128xf32, #tpu.memory_space<vmem>>, vector<16xf32>,
          %swap3A_323 = vector.shape_cast %swap3A_322 : vector<16xf32> to vector<16xf32>
          %swap3A_324 = vector.shape_cast %add3A_321 : vector<16xf32> to vector<16xf32>
          tpu.vector_store %arg9[%swap3A], %swap3A_324 {strides = array<i32>} : memref<128xf32, #tpu.memory_space<vmem>>, vector<16xf32>,
        }
        %scan3A_50 = arith.constant 8 : i32
        %mul3A_51 = arith.constant 128 : i32
        %mul3A_52 = arith.muli %add3A_18, %mul3A_51 : i32
        "tpu.region"() ({
          %run_scoped3A = tpu.sem_alloc : memref<!tpu.dma_semaphore, #tpu.memory_space<semaphore_mem>>
          %dma_start3A_53 = tpu.memref_slice %arg5[%mul3A_52] : memref<50000xf32, #tpu.memory_space<hbm>> -> memref<128xf32, #tpu.memory_space<hbm>>
          %dma_start3A_54 = tpu.memref_slice %arg5[%mul3A_52] : memref<50000xf32, #tpu.memory_space<hbm>> -> memref<128xf32, #tpu.memory_space<hbm>>
          tpu.enqueue_dma source(%arg9 : memref<128xf32, #tpu.memory_space<vmem>>) target(%dma_start3A_54 : memref<128xf32, #tpu.memory_space<hbm>>) target_semaphore(%run_scoped3A : memref<!tpu.dma_semaphore, #tpu.memory_space<semaphore_mem>>)
          %dma_wait3A_55 = tpu.memref_slice %arg5[%mul3A_52] : memref<50000xf32, #tpu.memory_space<hbm>> -> memref<128xf32, #tpu.memory_space<hbm>>
          %dma_wait3A_56 = tpu.memref_slice %arg5[%mul3A_52] : memref<50000xf32, #tpu.memory_space<hbm>> -> memref<128xf32, #tpu.memory_space<hbm>>
          tpu.wait_dma2 semaphore(%run_scoped3A : memref<!tpu.dma_semaphore, #tpu.memory_space<semaphore_mem>>) src(%arg9 : memref<128xf32, #tpu.memory_space<vmem>>) dst(%dma_wait3A_56 : memref<128xf32, #tpu.memory_space<hbm>>)
          tpu.yield
        }) : () -> ()
      } else {
      }
    }
    %scan3A_10 = arith.constant 7 : i32
    %eq3A = arith.constant 31 : i32
    %eq3A_11 = arith.cmpi eq, %add3A, %eq3A : i32
    %convert_element_type3A = arith.extui %eq3A_11 : i1 to i32
    %cond3A = arith.constant 0 : i32
    %cond3A_12 = arith.cmpi ne, %convert_element_type3A, %cond3A : i32
    scf.if %cond3A_12 {
      "tpu.region"() ({
        %run_scoped3A = tpu.sem_alloc : memref<!tpu.dma_semaphore, #tpu.memory_space<semaphore_mem>>
        tpu.enqueue_dma source(%arg3 : memref<32x80xf32, #tpu.memory_space<hbm>>) target(%arg8 : memref<32x80xf32, #tpu.memory_space<vmem>>) target_semaphore(%run_scoped3A : memref<!tpu.dma_semaphore, #tpu.memory_space<semaphore_mem>>)
        tpu.wait_dma2 semaphore(%run_scoped3A : memref<!tpu.dma_semaphore, #tpu.memory_space<semaphore_mem>>) src(%arg3 : memref<32x80xf32, #tpu.memory_space<hbm>>) dst(%arg8 : memref<32x80xf32, #tpu.memory_space<vmem>>)
        tpu.yield
      }) : () -> ()
      %scan3A_13 = arith.constant 0 : i32
      %scan3A_14 = arith.constant 0 : i32
      %scan3A_15 = arith.constant 5 : i32
      %scan3A_16 = arith.addi %scan3A_14, %scan3A_15 : i32
      %scan3A_17 = arith.constant 1 : i32
      scf.for %scan3A_19 = %scan3A_14 to %scan3A_16 step %scan3A_17  : i32 {
        %mul3A_20 = arith.constant 16 : i32
        %mul3A_21 = arith.muli %scan3A_19, %mul3A_20 : i32
        %get3A = arith.constant 0 : index
        %get3A_22 = tpu.vector_load %arg10[%get3A] {strides = array<i32>} : memref<16xf32, #tpu.memory_space<vmem>>, vector<16xf32>,
        %get3A_23 = vector.shape_cast %get3A_22 : vector<16xf32> to vector<16xf32>
        %broadcast_in_dim3A = arith.constant 0.000000e+00 : f32
        %broadcast_in_dim3A_24 = vector.broadcast %broadcast_in_dim3A : f32 to vector<16xf32>
        %broadcast_in_dim3A_25 = arith.constant 0.000000e+00 : f32
        %broadcast_in_dim3A_26 = vector.broadcast %broadcast_in_dim3A_25 : f32 to vector<16xf32>
        %broadcast_in_dim3A_27 = arith.constant 0.000000e+00 : f32
        %broadcast_in_dim3A_28 = vector.broadcast %broadcast_in_dim3A_27 : f32 to vector<16xf32>
        %mul3A_29 = arith.constant 16 : i32
        %mul3A_30 = arith.muli %scan3A_19, %mul3A_29 : i32
        %get3A_31 = arith.constant 0 : i32
        %get3A_32 = arith.index_cast %get3A_31 : i32 to index
        %get3A_33 = arith.index_cast %mul3A_30 : i32 to index
        %get3A_34 = tpu.vector_load %arg8[%get3A_32, %get3A_33] {strides = array<i32>} : memref<32x80xf32, #tpu.memory_space<vmem>>, vector<1x16xf32>,
        %get3A_35 = vector.shape_cast %get3A_34 : vector<1x16xf32> to vector<16xf32>
        %add3A_36 = arith.addf %get3A_23, %get3A_35 : vector<16xf32>
        %mul3A_37 = arith.constant 16 : i32
        %mul3A_38 = arith.muli %scan3A_19, %mul3A_37 : i32
        %get3A_39 = arith.constant 1 : i32
        %get3A_40 = arith.index_cast %get3A_39 : i32 to index
        %get3A_41 = arith.index_cast %mul3A_38 : i32 to index
        %get3A_42 = tpu.vector_load %arg8[%get3A_40, %get3A_41] {strides = array<i32>} : memref<32x80xf32, #tpu.memory_space<vmem>>, vector<1x16xf32>,
        %get3A_43 = vector.shape_cast %get3A_42 : vector<1x16xf32> to vector<16xf32>
        %add3A_44 = arith.addf %broadcast_in_dim3A_24, %get3A_43 : vector<16xf32>
        %mul3A_45 = arith.constant 16 : i32
        %mul3A_46 = arith.muli %scan3A_19, %mul3A_45 : i32
        %get3A_47 = arith.constant 2 : i32
        %get3A_48 = arith.index_cast %get3A_47 : i32 to index
        %get3A_49 = arith.index_cast %mul3A_46 : i32 to index
        %get3A_50 = tpu.vector_load %arg8[%get3A_48, %get3A_49] {strides = array<i32>} : memref<32x80xf32, #tpu.memory_space<vmem>>, vector<1x16xf32>,
        %get3A_51 = vector.shape_cast %get3A_50 : vector<1x16xf32> to vector<16xf32>
        %add3A_52 = arith.addf %broadcast_in_dim3A_26, %get3A_51 : vector<16xf32>
        %mul3A_53 = arith.constant 16 : i32
        %mul3A_54 = arith.muli %scan3A_19, %mul3A_53 : i32
        %get3A_55 = arith.constant 3 : i32
        %get3A_56 = arith.index_cast %get3A_55 : i32 to index
        %get3A_57 = arith.index_cast %mul3A_54 : i32 to index
        %get3A_58 = tpu.vector_load %arg8[%get3A_56, %get3A_57] {strides = array<i32>} : memref<32x80xf32, #tpu.memory_space<vmem>>, vector<1x16xf32>,
        %get3A_59 = vector.shape_cast %get3A_58 : vector<1x16xf32> to vector<16xf32>
        %add3A_60 = arith.addf %broadcast_in_dim3A_28, %get3A_59 : vector<16xf32>
        %mul3A_61 = arith.constant 16 : i32
        %mul3A_62 = arith.muli %scan3A_19, %mul3A_61 : i32
        %get3A_63 = arith.constant 4 : i32
        %get3A_64 = arith.index_cast %get3A_63 : i32 to index
        %get3A_65 = arith.index_cast %mul3A_62 : i32 to index
        %get3A_66 = tpu.vector_load %arg8[%get3A_64, %get3A_65] {strides = array<i32>} : memref<32x80xf32, #tpu.memory_space<vmem>>, vector<1x16xf32>,
        %get3A_67 = vector.shape_cast %get3A_66 : vector<1x16xf32> to vector<16xf32>
        %add3A_68 = arith.addf %add3A_36, %get3A_67 : vector<16xf32>
        %mul3A_69 = arith.constant 16 : i32
        %mul3A_70 = arith.muli %scan3A_19, %mul3A_69 : i32
        %get3A_71 = arith.constant 5 : i32
        %get3A_72 = arith.index_cast %get3A_71 : i32 to index
        %get3A_73 = arith.index_cast %mul3A_70 : i32 to index
        %get3A_74 = tpu.vector_load %arg8[%get3A_72, %get3A_73] {strides = array<i32>} : memref<32x80xf32, #tpu.memory_space<vmem>>, vector<1x16xf32>,
        %get3A_75 = vector.shape_cast %get3A_74 : vector<1x16xf32> to vector<16xf32>
        %add3A_76 = arith.addf %add3A_44, %get3A_75 : vector<16xf32>
        %mul3A_77 = arith.constant 16 : i32
        %mul3A_78 = arith.muli %scan3A_19, %mul3A_77 : i32
        %get3A_79 = arith.constant 6 : i32
        %get3A_80 = arith.index_cast %get3A_79 : i32 to index
        %get3A_81 = arith.index_cast %mul3A_78 : i32 to index
        %get3A_82 = tpu.vector_load %arg8[%get3A_80, %get3A_81] {strides = array<i32>} : memref<32x80xf32, #tpu.memory_space<vmem>>, vector<1x16xf32>,
        %get3A_83 = vector.shape_cast %get3A_82 : vector<1x16xf32> to vector<16xf32>
        %add3A_84 = arith.addf %add3A_52, %get3A_83 : vector<16xf32>
        %mul3A_85 = arith.constant 16 : i32
        %mul3A_86 = arith.muli %scan3A_19, %mul3A_85 : i32
        %get3A_87 = arith.constant 7 : i32
        %get3A_88 = arith.index_cast %get3A_87 : i32 to index
        %get3A_89 = arith.index_cast %mul3A_86 : i32 to index
        %get3A_90 = tpu.vector_load %arg8[%get3A_88, %get3A_89] {strides = array<i32>} : memref<32x80xf32, #tpu.memory_space<vmem>>, vector<1x16xf32>,
        %get3A_91 = vector.shape_cast %get3A_90 : vector<1x16xf32> to vector<16xf32>
        %add3A_92 = arith.addf %add3A_60, %get3A_91 : vector<16xf32>
        %mul3A_93 = arith.constant 16 : i32
        %mul3A_94 = arith.muli %scan3A_19, %mul3A_93 : i32
        %get3A_95 = arith.constant 8 : i32
        %get3A_96 = arith.index_cast %get3A_95 : i32 to index
        %get3A_97 = arith.index_cast %mul3A_94 : i32 to index
        %get3A_98 = tpu.vector_load %arg8[%get3A_96, %get3A_97] {strides = array<i32>} : memref<32x80xf32, #tpu.memory_space<vmem>>, vector<1x16xf32>,
        %get3A_99 = vector.shape_cast %get3A_98 : vector<1x16xf32> to vector<16xf32>
        %add3A_100 = arith.addf %add3A_68, %get3A_99 : vector<16xf32>
        %mul3A_101 = arith.constant 16 : i32
        %mul3A_102 = arith.muli %scan3A_19, %mul3A_101 : i32
        %get3A_103 = arith.constant 9 : i32
        %get3A_104 = arith.index_cast %get3A_103 : i32 to index
        %get3A_105 = arith.index_cast %mul3A_102 : i32 to index
        %get3A_106 = tpu.vector_load %arg8[%get3A_104, %get3A_105] {strides = array<i32>} : memref<32x80xf32, #tpu.memory_space<vmem>>, vector<1x16xf32>,
        %get3A_107 = vector.shape_cast %get3A_106 : vector<1x16xf32> to vector<16xf32>
        %add3A_108 = arith.addf %add3A_76, %get3A_107 : vector<16xf32>
        %mul3A_109 = arith.constant 16 : i32
        %mul3A_110 = arith.muli %scan3A_19, %mul3A_109 : i32
        %get3A_111 = arith.constant 10 : i32
        %get3A_112 = arith.index_cast %get3A_111 : i32 to index
        %get3A_113 = arith.index_cast %mul3A_110 : i32 to index
        %get3A_114 = tpu.vector_load %arg8[%get3A_112, %get3A_113] {strides = array<i32>} : memref<32x80xf32, #tpu.memory_space<vmem>>, vector<1x16xf32>,
        %get3A_115 = vector.shape_cast %get3A_114 : vector<1x16xf32> to vector<16xf32>
        %add3A_116 = arith.addf %add3A_84, %get3A_115 : vector<16xf32>
        %mul3A_117 = arith.constant 16 : i32
        %mul3A_118 = arith.muli %scan3A_19, %mul3A_117 : i32
        %get3A_119 = arith.constant 11 : i32
        %get3A_120 = arith.index_cast %get3A_119 : i32 to index
        %get3A_121 = arith.index_cast %mul3A_118 : i32 to index
        %get3A_122 = tpu.vector_load %arg8[%get3A_120, %get3A_121] {strides = array<i32>} : memref<32x80xf32, #tpu.memory_space<vmem>>, vector<1x16xf32>,
        %get3A_123 = vector.shape_cast %get3A_122 : vector<1x16xf32> to vector<16xf32>
        %add3A_124 = arith.addf %add3A_92, %get3A_123 : vector<16xf32>
        %mul3A_125 = arith.constant 16 : i32
        %mul3A_126 = arith.muli %scan3A_19, %mul3A_125 : i32
        %get3A_127 = arith.constant 12 : i32
        %get3A_128 = arith.index_cast %get3A_127 : i32 to index
        %get3A_129 = arith.index_cast %mul3A_126 : i32 to index
        %get3A_130 = tpu.vector_load %arg8[%get3A_128, %get3A_129] {strides = array<i32>} : memref<32x80xf32, #tpu.memory_space<vmem>>, vector<1x16xf32>,
        %get3A_131 = vector.shape_cast %get3A_130 : vector<1x16xf32> to vector<16xf32>
        %add3A_132 = arith.addf %add3A_100, %get3A_131 : vector<16xf32>
        %mul3A_133 = arith.constant 16 : i32
        %mul3A_134 = arith.muli %scan3A_19, %mul3A_133 : i32
        %get3A_135 = arith.constant 13 : i32
        %get3A_136 = arith.index_cast %get3A_135 : i32 to index
        %get3A_137 = arith.index_cast %mul3A_134 : i32 to index
        %get3A_138 = tpu.vector_load %arg8[%get3A_136, %get3A_137] {strides = array<i32>} : memref<32x80xf32, #tpu.memory_space<vmem>>, vector<1x16xf32>,
        %get3A_139 = vector.shape_cast %get3A_138 : vector<1x16xf32> to vector<16xf32>
        %add3A_140 = arith.addf %add3A_108, %get3A_139 : vector<16xf32>
        %mul3A_141 = arith.constant 16 : i32
        %mul3A_142 = arith.muli %scan3A_19, %mul3A_141 : i32
        %get3A_143 = arith.constant 14 : i32
        %get3A_144 = arith.index_cast %get3A_143 : i32 to index
        %get3A_145 = arith.index_cast %mul3A_142 : i32 to index
        %get3A_146 = tpu.vector_load %arg8[%get3A_144, %get3A_145] {strides = array<i32>} : memref<32x80xf32, #tpu.memory_space<vmem>>, vector<1x16xf32>,
        %get3A_147 = vector.shape_cast %get3A_146 : vector<1x16xf32> to vector<16xf32>
        %add3A_148 = arith.addf %add3A_116, %get3A_147 : vector<16xf32>
        %mul3A_149 = arith.constant 16 : i32
        %mul3A_150 = arith.muli %scan3A_19, %mul3A_149 : i32
        %get3A_151 = arith.constant 15 : i32
        %get3A_152 = arith.index_cast %get3A_151 : i32 to index
        %get3A_153 = arith.index_cast %mul3A_150 : i32 to index
        %get3A_154 = tpu.vector_load %arg8[%get3A_152, %get3A_153] {strides = array<i32>} : memref<32x80xf32, #tpu.memory_space<vmem>>, vector<1x16xf32>,
        %get3A_155 = vector.shape_cast %get3A_154 : vector<1x16xf32> to vector<16xf32>
        %add3A_156 = arith.addf %add3A_124, %get3A_155 : vector<16xf32>
        %mul3A_157 = arith.constant 16 : i32
        %mul3A_158 = arith.muli %scan3A_19, %mul3A_157 : i32
        %get3A_159 = arith.constant 16 : i32
        %get3A_160 = arith.index_cast %get3A_159 : i32 to index
        %get3A_161 = arith.index_cast %mul3A_158 : i32 to index
        %get3A_162 = tpu.vector_load %arg8[%get3A_160, %get3A_161] {strides = array<i32>} : memref<32x80xf32, #tpu.memory_space<vmem>>, vector<1x16xf32>,
        %get3A_163 = vector.shape_cast %get3A_162 : vector<1x16xf32> to vector<16xf32>
        %add3A_164 = arith.addf %add3A_132, %get3A_163 : vector<16xf32>
        %mul3A_165 = arith.constant 16 : i32
        %mul3A_166 = arith.muli %scan3A_19, %mul3A_165 : i32
        %get3A_167 = arith.constant 17 : i32
        %get3A_168 = arith.index_cast %get3A_167 : i32 to index
        %get3A_169 = arith.index_cast %mul3A_166 : i32 to index
        %get3A_170 = tpu.vector_load %arg8[%get3A_168, %get3A_169] {strides = array<i32>} : memref<32x80xf32, #tpu.memory_space<vmem>>, vector<1x16xf32>,
        %get3A_171 = vector.shape_cast %get3A_170 : vector<1x16xf32> to vector<16xf32>
        %add3A_172 = arith.addf %add3A_140, %get3A_171 : vector<16xf32>
        %mul3A_173 = arith.constant 16 : i32
        %mul3A_174 = arith.muli %scan3A_19, %mul3A_173 : i32
        %get3A_175 = arith.constant 18 : i32
        %get3A_176 = arith.index_cast %get3A_175 : i32 to index
        %get3A_177 = arith.index_cast %mul3A_174 : i32 to index
        %get3A_178 = tpu.vector_load %arg8[%get3A_176, %get3A_177] {strides = array<i32>} : memref<32x80xf32, #tpu.memory_space<vmem>>, vector<1x16xf32>,
        %get3A_179 = vector.shape_cast %get3A_178 : vector<1x16xf32> to vector<16xf32>
        %add3A_180 = arith.addf %add3A_148, %get3A_179 : vector<16xf32>
        %mul3A_181 = arith.constant 16 : i32
        %mul3A_182 = arith.muli %scan3A_19, %mul3A_181 : i32
        %get3A_183 = arith.constant 19 : i32
        %get3A_184 = arith.index_cast %get3A_183 : i32 to index
        %get3A_185 = arith.index_cast %mul3A_182 : i32 to index
        %get3A_186 = tpu.vector_load %arg8[%get3A_184, %get3A_185] {strides = array<i32>} : memref<32x80xf32, #tpu.memory_space<vmem>>, vector<1x16xf32>,
        %get3A_187 = vector.shape_cast %get3A_186 : vector<1x16xf32> to vector<16xf32>
        %add3A_188 = arith.addf %add3A_156, %get3A_187 : vector<16xf32>
        %mul3A_189 = arith.constant 16 : i32
        %mul3A_190 = arith.muli %scan3A_19, %mul3A_189 : i32
        %get3A_191 = arith.constant 20 : i32
        %get3A_192 = arith.index_cast %get3A_191 : i32 to index
        %get3A_193 = arith.index_cast %mul3A_190 : i32 to index
        %get3A_194 = tpu.vector_load %arg8[%get3A_192, %get3A_193] {strides = array<i32>} : memref<32x80xf32, #tpu.memory_space<vmem>>, vector<1x16xf32>,
        %get3A_195 = vector.shape_cast %get3A_194 : vector<1x16xf32> to vector<16xf32>
        %add3A_196 = arith.addf %add3A_164, %get3A_195 : vector<16xf32>
        %mul3A_197 = arith.constant 16 : i32
        %mul3A_198 = arith.muli %scan3A_19, %mul3A_197 : i32
        %get3A_199 = arith.constant 21 : i32
        %get3A_200 = arith.index_cast %get3A_199 : i32 to index
        %get3A_201 = arith.index_cast %mul3A_198 : i32 to index
        %get3A_202 = tpu.vector_load %arg8[%get3A_200, %get3A_201] {strides = array<i32>} : memref<32x80xf32, #tpu.memory_space<vmem>>, vector<1x16xf32>,
        %get3A_203 = vector.shape_cast %get3A_202 : vector<1x16xf32> to vector<16xf32>
        %add3A_204 = arith.addf %add3A_172, %get3A_203 : vector<16xf32>
        %mul3A_205 = arith.constant 16 : i32
        %mul3A_206 = arith.muli %scan3A_19, %mul3A_205 : i32
        %get3A_207 = arith.constant 22 : i32
        %get3A_208 = arith.index_cast %get3A_207 : i32 to index
        %get3A_209 = arith.index_cast %mul3A_206 : i32 to index
        %get3A_210 = tpu.vector_load %arg8[%get3A_208, %get3A_209] {strides = array<i32>} : memref<32x80xf32, #tpu.memory_space<vmem>>, vector<1x16xf32>,
        %get3A_211 = vector.shape_cast %get3A_210 : vector<1x16xf32> to vector<16xf32>
        %add3A_212 = arith.addf %add3A_180, %get3A_211 : vector<16xf32>
        %mul3A_213 = arith.constant 16 : i32
        %mul3A_214 = arith.muli %scan3A_19, %mul3A_213 : i32
        %get3A_215 = arith.constant 23 : i32
        %get3A_216 = arith.index_cast %get3A_215 : i32 to index
        %get3A_217 = arith.index_cast %mul3A_214 : i32 to index
        %get3A_218 = tpu.vector_load %arg8[%get3A_216, %get3A_217] {strides = array<i32>} : memref<32x80xf32, #tpu.memory_space<vmem>>, vector<1x16xf32>,
        %get3A_219 = vector.shape_cast %get3A_218 : vector<1x16xf32> to vector<16xf32>
        %add3A_220 = arith.addf %add3A_188, %get3A_219 : vector<16xf32>
        %mul3A_221 = arith.constant 16 : i32
        %mul3A_222 = arith.muli %scan3A_19, %mul3A_221 : i32
        %get3A_223 = arith.constant 24 : i32
        %get3A_224 = arith.index_cast %get3A_223 : i32 to index
        %get3A_225 = arith.index_cast %mul3A_222 : i32 to index
        %get3A_226 = tpu.vector_load %arg8[%get3A_224, %get3A_225] {strides = array<i32>} : memref<32x80xf32, #tpu.memory_space<vmem>>, vector<1x16xf32>,
        %get3A_227 = vector.shape_cast %get3A_226 : vector<1x16xf32> to vector<16xf32>
        %add3A_228 = arith.addf %add3A_196, %get3A_227 : vector<16xf32>
        %mul3A_229 = arith.constant 16 : i32
        %mul3A_230 = arith.muli %scan3A_19, %mul3A_229 : i32
        %get3A_231 = arith.constant 25 : i32
        %get3A_232 = arith.index_cast %get3A_231 : i32 to index
        %get3A_233 = arith.index_cast %mul3A_230 : i32 to index
        %get3A_234 = tpu.vector_load %arg8[%get3A_232, %get3A_233] {strides = array<i32>} : memref<32x80xf32, #tpu.memory_space<vmem>>, vector<1x16xf32>,
        %get3A_235 = vector.shape_cast %get3A_234 : vector<1x16xf32> to vector<16xf32>
        %add3A_236 = arith.addf %add3A_204, %get3A_235 : vector<16xf32>
        %mul3A_237 = arith.constant 16 : i32
        %mul3A_238 = arith.muli %scan3A_19, %mul3A_237 : i32
        %get3A_239 = arith.constant 26 : i32
        %get3A_240 = arith.index_cast %get3A_239 : i32 to index
        %get3A_241 = arith.index_cast %mul3A_238 : i32 to index
        %get3A_242 = tpu.vector_load %arg8[%get3A_240, %get3A_241] {strides = array<i32>} : memref<32x80xf32, #tpu.memory_space<vmem>>, vector<1x16xf32>,
        %get3A_243 = vector.shape_cast %get3A_242 : vector<1x16xf32> to vector<16xf32>
        %add3A_244 = arith.addf %add3A_212, %get3A_243 : vector<16xf32>
        %mul3A_245 = arith.constant 16 : i32
        %mul3A_246 = arith.muli %scan3A_19, %mul3A_245 : i32
        %get3A_247 = arith.constant 27 : i32
        %get3A_248 = arith.index_cast %get3A_247 : i32 to index
        %get3A_249 = arith.index_cast %mul3A_246 : i32 to index
        %get3A_250 = tpu.vector_load %arg8[%get3A_248, %get3A_249] {strides = array<i32>} : memref<32x80xf32, #tpu.memory_space<vmem>>, vector<1x16xf32>,
        %get3A_251 = vector.shape_cast %get3A_250 : vector<1x16xf32> to vector<16xf32>
        %add3A_252 = arith.addf %add3A_220, %get3A_251 : vector<16xf32>
        %mul3A_253 = arith.constant 16 : i32
        %mul3A_254 = arith.muli %scan3A_19, %mul3A_253 : i32
        %get3A_255 = arith.constant 28 : i32
        %get3A_256 = arith.index_cast %get3A_255 : i32 to index
        %get3A_257 = arith.index_cast %mul3A_254 : i32 to index
        %get3A_258 = tpu.vector_load %arg8[%get3A_256, %get3A_257] {strides = array<i32>} : memref<32x80xf32, #tpu.memory_space<vmem>>, vector<1x16xf32>,
        %get3A_259 = vector.shape_cast %get3A_258 : vector<1x16xf32> to vector<16xf32>
        %add3A_260 = arith.addf %add3A_228, %get3A_259 : vector<16xf32>
        %mul3A_261 = arith.constant 16 : i32
        %mul3A_262 = arith.muli %scan3A_19, %mul3A_261 : i32
        %get3A_263 = arith.constant 29 : i32
        %get3A_264 = arith.index_cast %get3A_263 : i32 to index
        %get3A_265 = arith.index_cast %mul3A_262 : i32 to index
        %get3A_266 = tpu.vector_load %arg8[%get3A_264, %get3A_265] {strides = array<i32>} : memref<32x80xf32, #tpu.memory_space<vmem>>, vector<1x16xf32>,
        %get3A_267 = vector.shape_cast %get3A_266 : vector<1x16xf32> to vector<16xf32>
        %add3A_268 = arith.addf %add3A_236, %get3A_267 : vector<16xf32>
        %mul3A_269 = arith.constant 16 : i32
        %mul3A_270 = arith.muli %scan3A_19, %mul3A_269 : i32
        %get3A_271 = arith.constant 30 : i32
        %get3A_272 = arith.index_cast %get3A_271 : i32 to index
        %get3A_273 = arith.index_cast %mul3A_270 : i32 to index
        %get3A_274 = tpu.vector_load %arg8[%get3A_272, %get3A_273] {strides = array<i32>} : memref<32x80xf32, #tpu.memory_space<vmem>>, vector<1x16xf32>,
        %get3A_275 = vector.shape_cast %get3A_274 : vector<1x16xf32> to vector<16xf32>
        %add3A_276 = arith.addf %add3A_244, %get3A_275 : vector<16xf32>
        %mul3A_277 = arith.constant 16 : i32
        %mul3A_278 = arith.muli %scan3A_19, %mul3A_277 : i32
        %get3A_279 = arith.constant 31 : i32
        %get3A_280 = arith.index_cast %get3A_279 : i32 to index
        %get3A_281 = arith.index_cast %mul3A_278 : i32 to index
        %get3A_282 = tpu.vector_load %arg8[%get3A_280, %get3A_281] {strides = array<i32>} : memref<32x80xf32, #tpu.memory_space<vmem>>, vector<1x16xf32>,
        %get3A_283 = vector.shape_cast %get3A_282 : vector<1x16xf32> to vector<16xf32>
        %add3A_284 = arith.addf %add3A_252, %get3A_283 : vector<16xf32>
        %add3A_285 = arith.addf %add3A_260, %add3A_268 : vector<16xf32>
        %add3A_286 = arith.addf %add3A_276, %add3A_284 : vector<16xf32>
        %add3A_287 = arith.addf %add3A_285, %add3A_286 : vector<16xf32>
        %swap3A = arith.index_cast %mul3A_21 : i32 to index
        %swap3A_288 = tpu.vector_load %arg9[%swap3A] {strides = array<i32>} : memref<128xf32, #tpu.memory_space<vmem>>, vector<16xf32>,
        %swap3A_289 = vector.shape_cast %swap3A_288 : vector<16xf32> to vector<16xf32>
        %swap3A_290 = vector.shape_cast %add3A_287 : vector<16xf32> to vector<16xf32>
        tpu.vector_store %arg9[%swap3A], %swap3A_290 {strides = array<i32>} : memref<128xf32, #tpu.memory_space<vmem>>, vector<16xf32>,
      }
      %scan3A_18 = arith.constant 5 : i32
      "tpu.region"() ({
        %run_scoped3A = tpu.sem_alloc : memref<!tpu.dma_semaphore, #tpu.memory_space<semaphore_mem>>
        %dma_start3A_19 = arith.constant 0 : i32
        %dma_start3A_20 = tpu.memref_slice %arg9[%dma_start3A_19] : memref<128xf32, #tpu.memory_space<vmem>> -> memref<80xf32, #tpu.memory_space<vmem>>
        %dma_start3A_21 = arith.constant 49920 : i32
        %dma_start3A_22 = tpu.memref_slice %arg5[%dma_start3A_21] : memref<50000xf32, #tpu.memory_space<hbm>> -> memref<80xf32, #tpu.memory_space<hbm>>
        %dma_start3A_23 = arith.constant 49920 : i32
        %dma_start3A_24 = tpu.memref_slice %arg5[%dma_start3A_23] : memref<50000xf32, #tpu.memory_space<hbm>> -> memref<80xf32, #tpu.memory_space<hbm>>
        %dma_start3A_25 = arith.constant 0 : i32
        %dma_start3A_26 = tpu.memref_slice %arg9[%dma_start3A_25] : memref<128xf32, #tpu.memory_space<vmem>> -> memref<80xf32, #tpu.memory_space<vmem>>
        tpu.enqueue_dma source(%dma_start3A_26 : memref<80xf32, #tpu.memory_space<vmem>>) target(%dma_start3A_24 : memref<80xf32, #tpu.memory_space<hbm>>) target_semaphore(%run_scoped3A : memref<!tpu.dma_semaphore, #tpu.memory_space<semaphore_mem>>)
        %dma_wait3A = arith.constant 0 : i32
        %dma_wait3A_27 = tpu.memref_slice %arg9[%dma_wait3A] : memref<128xf32, #tpu.memory_space<vmem>> -> memref<80xf32, #tpu.memory_space<vmem>>
        %dma_wait3A_28 = arith.constant 49920 : i32
        %dma_wait3A_29 = tpu.memref_slice %arg5[%dma_wait3A_28] : memref<50000xf32, #tpu.memory_space<hbm>> -> memref<80xf32, #tpu.memory_space<hbm>>
        %dma_wait3A_30 = arith.constant 49920 : i32
        %dma_wait3A_31 = tpu.memref_slice %arg5[%dma_wait3A_30] : memref<50000xf32, #tpu.memory_space<hbm>> -> memref<80xf32, #tpu.memory_space<hbm>>
        %dma_wait3A_32 = arith.constant 0 : i32
        %dma_wait3A_33 = tpu.memref_slice %arg9[%dma_wait3A_32] : memref<128xf32, #tpu.memory_space<vmem>> -> memref<80xf32, #tpu.memory_space<vmem>>
        tpu.wait_dma2 semaphore(%run_scoped3A : memref<!tpu.dma_semaphore, #tpu.memory_space<semaphore_mem>>) src(%dma_wait3A_33 : memref<80xf32, #tpu.memory_space<vmem>>) dst(%dma_wait3A_31 : memref<80xf32, #tpu.memory_space<hbm>>)
        tpu.yield
      }) : () -> ()
    } else {
    }
    return
  }
}

</mosaic_0001>

<sc_bundles>
// kernel: kernel.3.cloned.1.call-start
scs
__scs_entry_jumppad:
0x0: {  	(pc) =	sbr.rel $0x88, $3  }
0x1: {  	(tag) =	ssettag $0x0;
	lr =	simm.s32 $0x1  }
0x2: {  	[smem:$0x3F9F] =	sst lr;
	_ =	strace $0xD0000000  }
0x3: {  	_ = 	snop  }
0x4: {  	_ = 	snop  }
0x5: {  	_ = 	snop  }
0x6: {  	_ = 	snop  }
0x7: {  	_ = 	snop  }
__scs_overlays_trampoline_lowered:
0x8: {  	[smem:$0x3FAE] =	sst s0  }
0x9: {  	[smem:$0x3FAF] =	sst s1  }
0xa: {  	[smem:$0x3FB0] =	sst s2  }
0xb: {  	[smem:$0x3FB1] =	sst s3  }
0xc: {  	[smem:$0x3FB2] =	sst s4  }
0xd: {  	[smem:$0x3FB3] =	sst s5  }
0xe: {  	[smem:$0x3FB4] =	sst s6  }
0xf: {  	[smem:$0x3FB5] =	sst s7  }
0x10: {  	[smem:$0x3FB6] =	sst s8  }
0x11: {  	[smem:$0x3FB7] =	sst s9;
	s0 =	simm.s32 @!p0 $0x0  }
0x12: {  	s1 =	sld [smem:$0x3F9D];
	s0 =	simm.s32 @p0 $0x1  }
0x13: {  	[smem:$0x3FB8] =	sst s0;
	s0 =	simm.s32 @!p1 $0x0  }
0x14: {  	s2 =	sld [smem:$0x3F9C];
	s0 =	simm.s32 @p1 $0x1  }
0x15: {  	[smem:$0x3FB9] =	sst s0;
	s0 =	simm.s32 @!p2 $0x0  }
0x16: {  	s3 =	sld [smem:$0x3FDB];
	s0 =	simm.s32 @p2 $0x1  }
0x17: {  	s4 =	simm.s32 $0x1BF5;
	[smem:$0x3FBB] =	sst s0  }
0x18: {  	s0 =	sld [smem:$0x3F9E];
	_ =	swait.ge [sflag:s4], $0x0  }
0x19: {  	s7 =	sld [smem:$0x3F9F]  }
0x1a: {  	s8 =	sadd.s32 $0xFFFFE003, lr  }
0x1b: {  	s9 =	sadd.s32 $0xFFFFFEF7, lr;
	s5 =	simm.s32 $0xFFFFFFFF;
	p2 =	slt.u32 s8, $0xFFFFF086  }
0x1c: {  	p1 =	slt.u32 s9, $0xF7A;
	s5 =	simm.s32 @!p2 $0x0  }
0x1d: {  	s5 =	simm.s32 @p1 $0x1;
	p0 =	seq.s32 s7, s2  }
0x1e: {  	s7 =	smul.u32 @!p0 $0xF7A, s2;
	p2 =	seq.s32 @!p0 s5, $0x0  }
0x1f: {  	s9 =	smul.u32 $0xF7A, s1;
	s8 =	simm.s32 @!p0 $0x1BF5;
	p2 =	por !p2, p0  }
0x20: {  	[sflag:s8] =	ssyncset.s32 @!p0 $0xFFFFF086;
	s6 =	sadd.s32 @!p0 s3, s7;
	s7 =	simm.s32 @!p0 $0x108  }
0x21: {  	s3 =	sadd.s32 s3, s9;
	s6 =	sadd.s32 @!p0 $0x88, s6;
	s7 =	simm.s32 @p2 $0x1082  }
0x22: {  	[simem:s7], [sflag:s8] =	dma.local @!p0 [hbm:s6], $0xF7A  }
0x23: {  	s9 =	sor.u32 $0xD0000000, s2;
	s6 =	simm.s32 $0x108;
	_ =	swait.ge @!p0 [sflag:s8], $0x0  }
0x24: {  	s3 =	sadd.s32 $0x88, s3;
	s6 =	simm.s32 @!p1 $0x1082;
	[sflag:s4] =	ssyncset.s32 $0xFFFFF086  }
0x25: {  	[simem:s6], [sflag:s4] =	dma.local [hbm:s3], $0xF7A  }
0x26: {  	[smem:$0x3F9F] =	sst s1;
	(tag) =	ssettag s2;
	_ =	strace s9  }
0x27: {  	s1 =	sld [smem:$0x3FAF]  }
0x28: {  	s2 =	sld [smem:$0x3FB0]  }
0x29: {  	s4 =	sld [smem:$0x3FB2]  }
0x2a: {  	p0 =	seq.s32 s5, $0x0;
	s5 =	sld [smem:$0x3FB3]  }
0x2b: {  	s6 =	sld [smem:$0x3FB4]  }
0x2c: {  	s7 =	sld [smem:$0x3FB5]  }
0x2d: {  	s3 =	simm.s32 $0x108;
	s8 =	sld [smem:$0x3FB6]  }
0x2e: {  	s3 =	simm.s32 @!p0 $0x1082;
	s9 =	sld [smem:$0x3FB7]  }
0x2f: {  	lr =	sadd.s32 s0, s3;
	s0 =	sld [smem:$0x3FAE]  }
0x30: {  	s3 =	sld [smem:$0x3FB1]  }
0x31: {  	[smem:$0x3FBA] =	sst s10  }
0x32: {  	s10 =	sld [smem:$0x3FB8];
	_ =	sdelay $0x3  }
0x33: {  	p0 =	seq.s32 s10, $0x1;
	s10 =	sld [smem:$0x3FBA];
	_ =	sdelay $0x3  }
0x34: {  	[smem:$0x3FBA] =	sst s10  }
0x35: {  	s10 =	sld [smem:$0x3FB9];
	_ =	sdelay $0x3  }
0x36: {  	p1 =	seq.s32 s10, $0x1;
	s10 =	sld [smem:$0x3FBA];
	_ =	sdelay $0x3  }
0x37: {  	[smem:$0x3FBA] =	sst s10  }
0x38: {  	s10 =	sld [smem:$0x3FBB]  }
0x39: {  	_ = 	snop;
	(pc) =	sbr.ind lr, $3  }
0x3a: {  	_ = 	snop  }
0x3b: {  	_ = 	snop  }
0x3c: {  	p2 =	seq.s32 s10, $0x1;
	s10 =	sld [smem:$0x3FBA]  }
0x3d: {  	_ =	shalt  }
0x3e: {  	_ =	shalt  }
0x3f: {  	_ =	shalt  }
0x40: {  	_ =	shalt  }
0x41: {  	_ =	shalt  }
0x42: {  	_ =	shalt  }
0x43: {  	_ =	shalt  }
0x44: {  	_ =	shalt  }
0x45: {  	_ =	shalt  }
0x46: {  	_ =	shalt  }
0x47: {  	_ =	shalt  }
0x48: {  	_ =	shalt  }
0x49: {  	_ =	shalt  }
0x4a: {  	_ =	shalt  }
0x4b: {  	_ =	shalt  }
0x4c: {  	_ =	shalt  }
0x4d: {  	_ =	shalt  }
0x4e: {  	_ =	shalt  }
0x4f: {  	_ =	shalt  }
0x50: {  	_ =	shalt  }
0x51: {  	_ =	shalt  }
0x52: {  	_ =	shalt  }
0x53: {  	_ =	shalt  }
0x54: {  	_ =	shalt  }
0x55: {  	_ =	shalt  }
0x56: {  	_ =	shalt  }
0x57: {  	_ =	shalt  }
0x58: {  	_ =	shalt  }
0x59: {  	_ =	shalt  }
0x5a: {  	_ =	shalt  }
0x5b: {  	_ =	shalt  }
0x5c: {  	_ =	shalt  }
0x5d: {  	_ =	shalt  }
0x5e: {  	_ =	shalt  }
0x5f: {  	_ =	shalt  }
0x60: {  	_ =	shalt  }
0x61: {  	_ =	shalt  }
0x62: {  	_ =	shalt  }
0x63: {  	_ =	shalt  }
0x64: {  	_ =	shalt  }
0x65: {  	_ =	shalt  }
0x66: {  	_ =	shalt  }
0x67: {  	_ =	shalt  }
0x68: {  	_ =	shalt  }
0x69: {  	_ =	shalt  }
0x6a: {  	_ =	shalt  }
0x6b: {  	_ =	shalt  }
0x6c: {  	_ =	shalt  }
0x6d: {  	_ =	shalt  }
0x6e: {  	_ =	shalt  }
0x6f: {  	_ =	shalt  }
0x70: {  	_ =	shalt  }
0x71: {  	_ =	shalt  }
0x72: {  	_ =	shalt  }
0x73: {  	_ =	shalt  }
0x74: {  	_ =	shalt  }
0x75: {  	_ =	shalt  }
0x76: {  	_ =	shalt  }
0x77: {  	_ =	shalt  }
0x78: {  	_ =	shalt  }
0x79: {  	_ =	shalt  }
0x7a: {  	_ =	shalt  }
0x7b: {  	_ =	shalt  }
0x7c: {  	_ =	shalt  }
0x7d: {  	_ =	shalt  }
0x7e: {  	_ =	shalt  }
0x7f: {  	_ =	shalt  }
0x80: {  	_ =	shalt  }
0x81: {  	_ =	shalt  }
0x82: {  	_ =	shalt  }
0x83: {  	_ =	shalt  }
0x84: {  	_ =	shalt  }
0x85: {  	_ =	shalt  }
0x86: {  	_ =	shalt  }
0x87: {  	_ =	shalt  }
.Lfunc_end0:
.L_simem_size_0:
called_computation_lowered:
.L_overlay_start_0:
0x88: {  	s2 =	sld [smem:$0x3FD9]  }
0x89: {  	s3 =	sld [smem:$0x3FFE];
	_ =	sdelay $0x1  }
0x8a: {  	s1 =	srdreg.scid  }
0x8b: {  	s0 =	sand.u32 $0x1, s1  }
0x8c: {  	s17 =	sshll.u32 s0, $0xA;
	s2 =	sadd.s32 s3, s2  }
0x8d: {  	s2 =	sadd.s32 s2, s17  }
0x8e: {  	[smem:$0x3FC6] =	sst s2  }
0x8f: {  	_ = 	snop  }
0x90: {  	s2 =	sld [smem:$0x3FC9]  }
0x91: {  	s18 =	sld [smem:$0x3FD0];
	(tm) =	ssettm $0x1  }
0x92: {  	s4 =	sld [smem:$0x3FFB];
	_ =	sdelay $0x3  }
0x93: {  	_ =	strace s4  }
0x94: {  	s4 =	sld [smem:$0x3FFC];
	_ =	sdelay $0x3  }
0x95: {  	_ =	strace s4  }
0x96: {  	s4 =	sld [smem:$0x3FFD];
	_ =	sdelay $0x3  }
0x97: {  	_ =	strace s4  }
0x98: {  	_ =	strace $0x8FFFFFFF  }
0x99: {  	s19 =	sld [smem:$0x3FDB];
	_ =	sdelay $0x1  }
0x9a: {  	s5 =	simm.s32 $_scs_section_size  }
0x9b: {  	s6 =	simm.s32 $_size__tile_overlayer_lowered;
	s7 =	simm.s32 $_tile_overlayer_lowered  }
0x9c: {  	s22 =	simm.s32 $0x1BFF;
	s21 =	sshll.u32 s7, $0x1;
	s4 =	sadd.s32 s5, s19  }
0x9d: {  	s8 =	simm.s32 $0x0;
	s20 =	sshll.u32 s6, $0x1;
	s6 =	sadd.s32 s21, s4  }
0x9e: {  	[timem:s8], [sflag:s22] =	dma.local [hbm:s6], s20  }
0x9f: {  	_ =	swait.ge [sflag:s22], s20  }
0xa0: {  	s5 =	ssub.s32 $0x0, s20;
	[sflag:s22] =	ssyncset.done $0x0  }
0xa1: {  	[sflag:s22] =	ssyncadd.s32 s5;
	_ =	sdelay $0x1  }
0xa2: {  	s23 =	simm.s32 $0x1B8B  }
0xa3: {  	_ =	swait.ge [sflag:s23], $0x1  }
0xa4: {  	[sflag:s23] =	ssyncset.done $0x0  }
0xa5: {  	s25 =	simm.s32 $0x1B8E;
	s24 =	sld [smem:$0x3FFE];
	[sflag:s23] =	ssyncadd.s32 $0xFFFFFFFF  }
0xa6: {  	s26 =	simm.s32 $execute0_lowered;
	[smem:$0x3FD2] =	sst s25  }
0xa7: {  	s6 =	sshll.u32 s26, $0x1;
	_ =	strace $0x80000046;
	[dreg:$0x1] =	wrdreg $0xFFFFFFFF  }
0xa8: {  	s28 =	simm.s32 $_size_execute0_lowered;
	s4 =	sadd.s32 s4, s6;
	[dreg:$0x0] =	wrdreg $0x0  }
0xa9: {  	s6 =	sshll.u32 s28, $0x1;
	[dreg:$0x2] =	wrdreg s4  }
0xaa: {  	[dreg:$0x3] =	wrdreg s6  }
0xab: {  	[dreg:$0x4] =	wrdreg $0xC0  }
0xac: {  	_ =	task [dreg:s8], $0x5FFFF  }
0xad: {  	[dreg:$0x1] =	wrdreg $0xFFFFFFFF  }
0xae: {  	[dreg:$0x0] =	wrdreg $0x60  }
0xaf: {  	[dreg:$0x2] =	wrdreg s2  }
0xb0: {  	[dreg:$0x3] =	wrdreg s24  }
0xb1: {  	[dreg:$0x4] =	wrdreg s18  }
0xb2: {  	[dreg:$0x5] =	wrdreg $0x9  }
0xb3: {  	_ =	task.clear_ibuf [dreg:s8], $0x6FFFF;
	_ =	strace $0x90000046  }
0xb4: {  	s29 =	simm.s32 $0x9;
	_ =	strace $0x80000048  }
0xb5: {  	_ =	swait.ge [sflag:s29], $0x1  }
0xb6: {  	[sflag:s29] =	ssyncadd.s32 $0xFFFFFFFF  }
0xb7: {  	_ =	strace $0x90000048  }
0xb8: {  	_ =	sfence  }
0xb9: {  	s30 =	sld [smem:$0x0];
	_ =	sdelay $0x2  }
0xba: {  	s31 =	sshll.u32 s1, $0xD;
	s1 =	sshrl.u32 s1, $0x2  }
0xbb: {  	s3 =	sand.u32 $0x4000, s31;
	s1 =	sadd.s32 s1, s30  }
0xbc: {  	s0 =	sor.u32 s3, s0;
	s1 =	sshll.u32 s1, $0x11  }
0xbd: {  	s0 =	sor.u32 s1, s0  }
0xbe: {  	s0 =	sadd.s32 $0x8F2B, s0  }
0xbf: {  	[sflag:s0] =	ssyncadd.remote.s32 $0x1  }
0xc0: {  	_ =	sfence.sel $0xFFFF  }
0xc1: {  	[dreg:$0x0] =	wrdreg $0xFFFFFFFF;
	(pc) =	sbr.abs _section_cstart, $3  }
0xc2: {  	[dreg:$0x1] =	wrdreg $0xFFFFFFFF  }
0xc3: {  	_ =	task.clear_ibuf [dreg:s8], $0x2FFFF;
	_ =	strace $0x9FFFFFFF  }
0xc4: {  	(tm) =	ssettm $0x7FFFFFFF  }
0xc5: {  	_ =	shalt  }
tec
execute0_lowered:
.L_overlay_start_1:
0x0: {  	(tag) =	ssettag $0x1  }
0x1: {  	s1 =	rddreg [dreg:$0x0]  }
0x2: {  	s7 =	rddreg [dreg:$0x1]  }
0x3: {  	s2 =	rddreg [dreg:$0x2]  }
0x4: {  	s0 =	rddreg [dreg:$0x3]  }
0x5: {  	s4 =	simm.s32 $0x0;
	s5 =	srdreg.scid;
	s3 =	stileid.u32  }
0x6: {  	s12 =	simm.s32 $0x3080;
	s13 =	simm.s32 $0x3;
	s14 =	simm.s32 $0x400  }
0x7: {  	s15 =	simm.s32 $0x61C00;
	s16 =	simm.s32 $0x1;
	s17 =	simm.s32 $0x3000  }
0x8: {  	s18 =	simm.s32 $0x4;
	s19 =	simm.s32 $0x2;
	s20 =	simm.s32 $0x2000  }
0x9: {  	s21 =	simm.s32 $0x0;
	[smem:$0x7FF] =	sst s4;
	s6 =	sand.u32 $0x1, s5  }
.Ltmp0:
0xa: {  	s9 =	sshll.u32 s3, $0x1;
	s5 =	sadd.s32 $0x400, s7;
	(pc) =	sbr.rel .LBB2_1-.Ltmp0, $4  }
0xb: {  	s7 =	sadd.s32 $0x600, s7;
	_ =	strace $0x80000047;
	s8 =	ssub.s32 $0x2, s6  }
0xc: {  	s6 =	sor.u32 s6, s9;
	s9 =	sadd.s32 $0x2000, s1;
	s10 =	sshrl.u32 s8, $0x1  }
0xd: {  	s31 =	sshll.u32 s6, $0x7;
	p0 =	sne.s32 s6, $0x1F;
	s11 =	ssub.s32 s8, s10  }
0xe: {  	s8 =	sadd.s32 s1, s31;
	s10 =	sadd.s32 $0x1860, s2;
	s11 =	smax.u32 s11, $0x1  }
.LBB2_16:
0xf: {  	s21 =	sadd.s32 $0x1, s21  }
0x10: {  	p1 =	sne.s32 s21, s11  }
.Ltmp1:
0x11: {  	_ = 	snop;
	(pc) =	sbr.rel @!p1 .LBB2_17-.Ltmp1, $1  }
0x12: {  	_ =	sdelay $0x3  }
.LBB2_1:
0x13: {  	[tilespmem:s12], [sflag:$0x3] =	stream.linear.gather [hbm4b:s7+s4], $0x80, $0x38;
	[tilespmem:$0x3100] =	vst v63  }
.Ltmp2:
0x14: {  	_ = 	snop;
	(pc) =	sbr.rel .LBB2_2-.Ltmp2, $4  }
0x15: {  	_ =	swait.ge [sflag:s13], $0x80  }
0x16: {  	[sflag:s13] =	ssyncset.done $0x0  }
0x17: {  	s22 =	simm.s32 $0x0;
	[sflag:s13] =	ssyncadd.s32 $0xFFFFFF80  }
0x18: {  	[tilespmem:s4], [sflag:$0x1] =	stream.strided.gather [hbm4b:s8+s14], $0x1000, s15, s14, $0x38;
	[tilespmem:$0x3100] =	vst v63  }
.LBB2_11:
0x19: {  	s22 =	sadd.s32 $0x1, s22  }
0x1a: {  	p1 =	sne.s32 s22, $0x7  }
.Ltmp3:
0x1b: {  	_ = 	snop;
	(pc) =	sbr.rel @!p1 .LBB2_12-.Ltmp3, $1  }
0x1c: {  	_ =	sdelay $0x3  }
.LBB2_2:
0x1d: {  	s23 =	sshll.u32 s22, $0x6  }
0x1e: {  	s24 =	sor.u32 s6, s23  }
0x1f: {  	p2 =	sgt.u32 s24, $0x185  }
.Ltmp4:
0x20: {  	s23 =	sor.u32 $0x20, s24;
	(pc) =	sbr.rel @p2 .LBB2_11-.Ltmp4, $4  }
0x21: {  	p1 =	sgt.u32 s23, $0x185  }
0x22: {  	s25 =	sshll.u32 @!p1 s23, $0x7;
	s26 =	simm.s32 @!p1 $0x400  }
0x23: {  	s28 =	simm.s32 @!p1 $0x61C00;
	s29 =	simm.s32 @!p1 $0x1000;
	s25 =	sadd.s32 @!p1 s1, s25  }
0x24: {  	[tilespmem:s29], [sflag:$0x2] =	stream.strided.gather @!p1 [hbm4b:s25+s26], $0x1000, s28, s26, $0x38;
	[tilespmem:$0x3100] =	vst v63  }
0x25: {  	_ =	swait.ge [sflag:s16], $0x1000  }
0x26: {  	[sflag:s16] =	ssyncset.done $0x0  }
0x27: {  	s25 =	simm.s32 $0x0;
	[sflag:s16] =	ssyncadd.s32 $0xFFFFF000  }
0x28: {  	v0 =	vld [tilespmem:s25+$0xE00]  }
0x29: {  	v2 =	vld [tilespmem:s25+$0xE80]  }
0x2a: {  	v1 =	vld [tilespmem:s25+$0xC00]  }
0x2b: {  	v3 =	vld [tilespmem:s25+$0xC80]  }
0x2c: {  	v4 =	vld [tilespmem:s25+$0xA00]  }
0x2d: {  	v5 =	vld [tilespmem:s25+$0xA80]  }
0x2e: {  	v6 =	vld [tilespmem:s25+$0x800]  }
0x2f: {  	v7 =	vld [tilespmem:s25+$0x880]  }
0x30: {  	v8 =	vld [tilespmem:s25+$0x600]  }
0x31: {  	v9 =	vld [tilespmem:s25+$0x680]  }
0x32: {  	v10 =	vld [tilespmem:s25+$0x400]  }
0x33: {  	v11 =	vld [tilespmem:s25+$0x480]  }
0x34: {  	v12 =	vld [tilespmem:s25+$0x200]  }
0x35: {  	v13 =	vld [tilespmem:s25+$0x280]  }
0x36: {  	v14 =	vld [tilespmem:s25+$0x0]  }
0x37: {  	v16 =	vld [tilespmem:s25+$0x80]  }
0x38: {  	v17 =	vld [tilespmem:s25+$0x100]  }
0x39: {  	s26 =	simm.s32 $0x40;
	v15 =	vld [tilespmem:s25+$0x180]  }
.LBB2_4:
0x3a: {  	p2 =	sne.s32 s26, $0x1C0;
	v18 =	vld [tilespmem:$0x3080]  }
0x3b: {  	v19 =	vld [tilespmem:s25+$0x300]  }
0x3c: {  	v20 =	vld [tilespmem:s25+$0x380]  }
0x3d: {  	v21 =	vld [tilespmem:s25+$0x500]  }
0x3e: {  	v16 =	vadd.f32 $0.0e+00, v16;
	v17 =	vadd.f32 $0.0e+00, v17;
	v22 =	vld [tilespmem:s25+$0x580]  }
0x3f: {  	v15 =	vadd.f32 $0.0e+00, v15;
	v14 =	vadd.f32 v14, v18;
	v18 =	vld [tilespmem:s25+$0x700]  }
0x40: {  	v13 =	vadd.f32 v13, v16;
	v16 =	vadd.f32 v19, v17;
	v17 =	vld [tilespmem:s25+$0x780]  }
0x41: {  	v12 =	vadd.f32 v12, v14;
	v14 =	vadd.f32 v20, v15;
	v15 =	vld [tilespmem:s25+$0x900]  }
0x42: {  	v11 =	vadd.f32 v11, v13;
	v13 =	vadd.f32 v21, v16;
	v16 =	vld [tilespmem:s25+$0x980]  }
0x43: {  	v10 =	vadd.f32 v10, v12;
	v12 =	vadd.f32 v22, v14;
	v14 =	vld [tilespmem:s25+$0xB00]  }
0x44: {  	v9 =	vadd.f32 v9, v11;
	v11 =	vadd.f32 v18, v13;
	v13 =	vld [tilespmem:s25+$0xB80]  }
0x45: {  	v8 =	vadd.f32 v8, v10;
	v10 =	vadd.f32 v17, v12;
	v12 =	vld [tilespmem:s25+$0xD00]  }
0x46: {  	v7 =	vadd.f32 v7, v9;
	v9 =	vadd.f32 v15, v11;
	v11 =	vld [tilespmem:s25+$0xD80]  }
0x47: {  	v6 =	vadd.f32 v6, v8;
	v8 =	vadd.f32 v16, v10;
	v10 =	vld [tilespmem:s25+$0xF00]  }
0x48: {  	s28 =	sshra.s32 s26, $0x2;
	v5 =	vadd.f32 v5, v7;
	v7 =	vadd.f32 v14, v9;
	v9 =	vld [tilespmem:s25+$0xF80]  }
0x49: {  	v14 =	vld [tilespmem:s28+$0xE00];
	v4 =	vadd.f32 v4, v6;
	v6 =	vadd.f32 v13, v8  }
0x4a: {  	v5 =	vadd.f32 v3, v5;
	v8 =	vld [tilespmem:s28+$0xE80];
	v7 =	vadd.f32 v12, v7  }
0x4b: {  	v12 =	vadd.f32 v1, v4;
	v1 =	vld [tilespmem:s28+$0xC00];
	v6 =	vadd.f32 v11, v6  }
0x4c: {  	v11 =	vadd.f32 v2, v5;
	v3 =	vld [tilespmem:s28+$0xC80];
	v7 =	vadd.f32 v10, v7  }
0x4d: {  	v4 =	vld [tilespmem:s28+$0xA00];
	v10 =	vadd.f32 v0, v12;
	v9 =	vadd.f32 v9, v6  }
0x4e: {  	v5 =	vld [tilespmem:s28+$0xA80];
	v0 =	vmov v14  }
0x4f: {  	v6 =	vld [tilespmem:s28+$0x800];
	v10 =	vadd.f32 v11, v10;
	v9 =	vadd.f32 v9, v7;
	v2 =	vmov v8  }
0x50: {  	v7 =	vld [tilespmem:s28+$0x880]  }
0x51: {  	v8 =	vld [tilespmem:s28+$0x600];
	v11 =	vadd.f32 v9, v10  }
0x52: {  	v9 =	vld [tilespmem:s28+$0x680]  }
0x53: {  	v10 =	vld [tilespmem:s28+$0x400];
	[tilespmem:s25+$0x3000] =	vst v11;
	s25 =	smov.u32 s28  }
0x54: {  	v11 =	vld [tilespmem:s25+$0x480]  }
0x55: {  	v12 =	vld [tilespmem:s25+$0x200]  }
.Ltmp5:
0x56: {  	v13 =	vld [tilespmem:s25+$0x280];
	(pc) =	sbr.rel @p2 .LBB2_4-.Ltmp5, $4  }
0x57: {  	v14 =	vld [tilespmem:s25+$0x0]  }
0x58: {  	v16 =	vld [tilespmem:s25+$0x80]  }
0x59: {  	v17 =	vld [tilespmem:s25+$0x100]  }
0x5a: {  	s26 =	sadd.s32 $0x40, s26;
	v15 =	vld [tilespmem:s25+$0x180]  }
0x5b: {  	v18 =	vld [tilespmem:$0x3080]  }
0x5c: {  	v19 =	vld [tilespmem:s25+$0x300]  }
0x5d: {  	v20 =	vld [tilespmem:s25+$0x380]  }
0x5e: {  	v21 =	vld [tilespmem:s25+$0x500]  }
0x5f: {  	v22 =	vld [tilespmem:s25+$0x580];
	v16 =	vadd.f32 $0.0e+00, v16;
	v17 =	vadd.f32 $0.0e+00, v17  }
0x60: {  	v40 =	vld [tilespmem:s25+$0x700];
	v15 =	vadd.f32 $0.0e+00, v15;
	v14 =	vadd.f32 v14, v18  }
0x61: {  	v42 =	vld [tilespmem:s25+$0x780];
	v13 =	vadd.f32 v13, v16;
	v41 =	vadd.f32 v19, v17  }
0x62: {  	v44 =	vld [tilespmem:s25+$0x900];
	v43 =	vadd.f32 v20, v15;
	v12 =	vadd.f32 v12, v14  }
0x63: {  	v46 =	vld [tilespmem:s25+$0x980];
	v11 =	vadd.f32 v11, v13;
	v45 =	vadd.f32 v21, v41  }
0x64: {  	v48 =	vld [tilespmem:s25+$0xB00];
	v47 =	vadd.f32 v22, v43;
	v10 =	vadd.f32 v10, v12  }
0x65: {  	v50 =	vld [tilespmem:s25+$0xB80];
	v9 =	vadd.f32 v9, v11;
	v49 =	vadd.f32 v40, v45  }
0x66: {  	v52 =	vld [tilespmem:s25+$0xD00];
	v51 =	vadd.f32 v42, v47;
	v8 =	vadd.f32 v8, v10  }
0x67: {  	v54 =	vld [tilespmem:s25+$0xD80];
	v7 =	vadd.f32 v7, v9;
	v53 =	vadd.f32 v44, v49  }
0x68: {  	v56 =	vld [tilespmem:s25+$0xF00];
	v55 =	vadd.f32 v46, v51;
	v6 =	vadd.f32 v6, v8  }
0x69: {  	v58 =	vld [tilespmem:s25+$0xF80];
	v5 =	vadd.f32 v5, v7;
	v57 =	vadd.f32 v48, v53  }
0x6a: {  	v59 =	vadd.f32 v50, v55;
	v4 =	vadd.f32 v4, v6  }
0x6b: {  	v3 =	vadd.f32 v3, v5;
	v60 =	vadd.f32 v52, v57  }
0x6c: {  	v61 =	vadd.f32 v54, v59;
	v1 =	vadd.f32 v1, v4  }
0x6d: {  	v2 =	vadd.f32 v2, v3;
	v62 =	vadd.f32 v56, v60  }
0x6e: {  	v63 =	vadd.f32 v58, v61;
	v0 =	vadd.f32 v0, v1;
	_ =	sdelay $0x1  }
0x6f: {  	v1 =	vadd.f32 v63, v62;
	v0 =	vadd.f32 v2, v0;
	_ =	sdelay $0x1  }
0x70: {  	v0 =	vadd.f32 v1, v0  }
0x71: {  	s26 =	sshll.u32 s24, $0x4;
	p2 =	sgt.u32 s24, $0x145  }
.Ltmp6:
0x72: {  	s31 =	sadd.s32 s2, s26;
	[tilespmem:s25+$0x3000] =	vst v0;
	(pc) =	sbr.rel @p2 .LBB2_7-.Ltmp6, $4  }
0x73: {  	[hbm4b:s31+s4] =	stream.linear.scatter [tilespmem:s17], [sflag:$0x4], $0x80, $0x38;
	[tilespmem:$0x3100] =	vst v63  }
0x74: {  	_ =	swait.ge [sflag:s18], $0x80  }
0x75: {  	[sflag:s18] =	ssyncset.done $0x0  }
0x76: {  	[sflag:s18] =	ssyncadd.s32 $0xFFFFFF80  }
.Ltmp7:
0x77: {  	(pc) =	sbr.rel .LBB2_8-.Ltmp7, $4  }
0x78: {  	_ = 	snop  }
0x79: {  	s24 =	sshll.u32 s24, $0x7  }
0x7a: {  	s24 =	sadd.s32 s24, s9  }
0x7b: {  	[tilespmem:s4], [sflag:$0x1] =	stream.strided.gather [hbm4b:s24+s14], $0x1000, s15, s14, $0x38;
	[tilespmem:$0x3100] =	vst v63  }
.LBB2_7:
.Ltmp8:
0x7c: {  	(pc) =	sbr.rel @p1 .LBB2_11-.Ltmp8, $1  }
0x7d: {  	_ =	sdelay $0x3  }
.LBB2_8:
0x7e: {  	_ =	swait.ge [sflag:s19], $0x1000  }
0x7f: {  	[sflag:s19] =	ssyncset.done $0x0  }
0x80: {  	s24 =	simm.s32 $0x0;
	[sflag:s19] =	ssyncadd.s32 $0xFFFFF000  }
0x81: {  	v0 =	vld [tilespmem:s24+$0x1E00]  }
0x82: {  	v2 =	vld [tilespmem:s24+$0x1E80]  }
0x83: {  	v1 =	vld [tilespmem:s24+$0x1C00]  }
0x84: {  	v3 =	vld [tilespmem:s24+$0x1C80]  }
0x85: {  	v4 =	vld [tilespmem:s24+$0x1A00]  }
0x86: {  	v5 =	vld [tilespmem:s24+$0x1A80]  }
0x87: {  	v6 =	vld [tilespmem:s24+$0x1800]  }
0x88: {  	v7 =	vld [tilespmem:s24+$0x1880]  }
0x89: {  	v8 =	vld [tilespmem:s24+$0x1600]  }
0x8a: {  	v9 =	vld [tilespmem:s24+$0x1680]  }
0x8b: {  	v10 =	vld [tilespmem:s24+$0x1400]  }
0x8c: {  	v11 =	vld [tilespmem:s24+$0x1480]  }
0x8d: {  	v12 =	vld [tilespmem:s24+$0x1200]  }
0x8e: {  	v13 =	vld [tilespmem:s24+$0x1280]  }
0x8f: {  	v14 =	vld [tilespmem:s24+$0x1000]  }
0x90: {  	v16 =	vld [tilespmem:s24+$0x1080]  }
0x91: {  	v17 =	vld [tilespmem:s24+$0x1100]  }
0x92: {  	s25 =	simm.s32 $0x40;
	v15 =	vld [tilespmem:s24+$0x1180]  }
.LBB2_9:
0x93: {  	p1 =	sne.s32 s25, $0x1C0;
	v18 =	vld [tilespmem:$0x3080]  }
0x94: {  	v19 =	vld [tilespmem:s24+$0x1300]  }
0x95: {  	v20 =	vld [tilespmem:s24+$0x1380]  }
0x96: {  	v21 =	vld [tilespmem:s24+$0x1500]  }
0x97: {  	v16 =	vadd.f32 $0.0e+00, v16;
	v17 =	vadd.f32 $0.0e+00, v17;
	v22 =	vld [tilespmem:s24+$0x1580]  }
0x98: {  	v15 =	vadd.f32 $0.0e+00, v15;
	v14 =	vadd.f32 v14, v18;
	v18 =	vld [tilespmem:s24+$0x1700]  }
0x99: {  	v13 =	vadd.f32 v13, v16;
	v16 =	vadd.f32 v19, v17;
	v17 =	vld [tilespmem:s24+$0x1780]  }
0x9a: {  	v12 =	vadd.f32 v12, v14;
	v14 =	vadd.f32 v20, v15;
	v15 =	vld [tilespmem:s24+$0x1900]  }
0x9b: {  	v11 =	vadd.f32 v11, v13;
	v13 =	vadd.f32 v21, v16;
	v16 =	vld [tilespmem:s24+$0x1980]  }
0x9c: {  	v10 =	vadd.f32 v10, v12;
	v12 =	vadd.f32 v22, v14;
	v14 =	vld [tilespmem:s24+$0x1B00]  }
0x9d: {  	v9 =	vadd.f32 v9, v11;
	v11 =	vadd.f32 v18, v13;
	v13 =	vld [tilespmem:s24+$0x1B80]  }
0x9e: {  	v8 =	vadd.f32 v8, v10;
	v10 =	vadd.f32 v17, v12;
	v12 =	vld [tilespmem:s24+$0x1D00]  }
0x9f: {  	v7 =	vadd.f32 v7, v9;
	v9 =	vadd.f32 v15, v11;
	v11 =	vld [tilespmem:s24+$0x1D80]  }
0xa0: {  	v6 =	vadd.f32 v6, v8;
	v8 =	vadd.f32 v16, v10;
	v10 =	vld [tilespmem:s24+$0x1F00]  }
0xa1: {  	s26 =	sshra.s32 s25, $0x2;
	v5 =	vadd.f32 v5, v7;
	v7 =	vadd.f32 v14, v9;
	v9 =	vld [tilespmem:s24+$0x1F80]  }
0xa2: {  	v14 =	vld [tilespmem:s26+$0x1E00];
	v4 =	vadd.f32 v4, v6;
	v6 =	vadd.f32 v13, v8  }
0xa3: {  	v5 =	vadd.f32 v3, v5;
	v8 =	vld [tilespmem:s26+$0x1E80];
	v7 =	vadd.f32 v12, v7  }
0xa4: {  	v12 =	vadd.f32 v1, v4;
	v1 =	vld [tilespmem:s26+$0x1C00];
	v6 =	vadd.f32 v11, v6  }
0xa5: {  	v11 =	vadd.f32 v2, v5;
	v3 =	vld [tilespmem:s26+$0x1C80];
	v7 =	vadd.f32 v10, v7  }
0xa6: {  	v4 =	vld [tilespmem:s26+$0x1A00];
	v10 =	vadd.f32 v0, v12;
	v9 =	vadd.f32 v9, v6  }
0xa7: {  	v5 =	vld [tilespmem:s26+$0x1A80];
	v0 =	vmov v14  }
0xa8: {  	v6 =	vld [tilespmem:s26+$0x1800];
	v10 =	vadd.f32 v11, v10;
	v9 =	vadd.f32 v9, v7;
	v2 =	vmov v8  }
0xa9: {  	v7 =	vld [tilespmem:s26+$0x1880]  }
0xaa: {  	v8 =	vld [tilespmem:s26+$0x1600];
	v11 =	vadd.f32 v9, v10  }
0xab: {  	v9 =	vld [tilespmem:s26+$0x1680]  }
0xac: {  	v10 =	vld [tilespmem:s26+$0x1400];
	[tilespmem:s24+$0x3000] =	vst v11;
	s24 =	smov.u32 s26  }
0xad: {  	v11 =	vld [tilespmem:s24+$0x1480]  }
0xae: {  	v12 =	vld [tilespmem:s24+$0x1200]  }
.Ltmp9:
0xaf: {  	v13 =	vld [tilespmem:s24+$0x1280];
	(pc) =	sbr.rel @p1 .LBB2_9-.Ltmp9, $4  }
0xb0: {  	v14 =	vld [tilespmem:s24+$0x1000]  }
0xb1: {  	v16 =	vld [tilespmem:s24+$0x1080]  }
0xb2: {  	v17 =	vld [tilespmem:s24+$0x1100]  }
0xb3: {  	s25 =	sadd.s32 $0x40, s25;
	v15 =	vld [tilespmem:s24+$0x1180]  }
0xb4: {  	v18 =	vld [tilespmem:$0x3080]  }
0xb5: {  	v19 =	vld [tilespmem:s24+$0x1300]  }
0xb6: {  	v20 =	vld [tilespmem:s24+$0x1380]  }
0xb7: {  	v21 =	vld [tilespmem:s24+$0x1500]  }
0xb8: {  	v22 =	vld [tilespmem:s24+$0x1580];
	v16 =	vadd.f32 $0.0e+00, v16;
	v17 =	vadd.f32 $0.0e+00, v17  }
0xb9: {  	v40 =	vld [tilespmem:s24+$0x1700];
	v15 =	vadd.f32 $0.0e+00, v15;
	v14 =	vadd.f32 v14, v18  }
0xba: {  	v42 =	vld [tilespmem:s24+$0x1780];
	v13 =	vadd.f32 v13, v16;
	v41 =	vadd.f32 v19, v17  }
0xbb: {  	v44 =	vld [tilespmem:s24+$0x1900];
	v43 =	vadd.f32 v20, v15;
	v12 =	vadd.f32 v12, v14  }
0xbc: {  	v46 =	vld [tilespmem:s24+$0x1980];
	v11 =	vadd.f32 v11, v13;
	v45 =	vadd.f32 v21, v41  }
0xbd: {  	v48 =	vld [tilespmem:s24+$0x1B00];
	v47 =	vadd.f32 v22, v43;
	v10 =	vadd.f32 v10, v12  }
0xbe: {  	v50 =	vld [tilespmem:s24+$0x1B80];
	v9 =	vadd.f32 v9, v11;
	v49 =	vadd.f32 v40, v45  }
0xbf: {  	v52 =	vld [tilespmem:s24+$0x1D00];
	v51 =	vadd.f32 v42, v47;
	v8 =	vadd.f32 v8, v10  }
0xc0: {  	v54 =	vld [tilespmem:s24+$0x1D80];
	v7 =	vadd.f32 v7, v9;
	v53 =	vadd.f32 v44, v49  }
0xc1: {  	v56 =	vld [tilespmem:s24+$0x1F00];
	v55 =	vadd.f32 v46, v51;
	v6 =	vadd.f32 v6, v8  }
0xc2: {  	v58 =	vld [tilespmem:s24+$0x1F80];
	v5 =	vadd.f32 v5, v7;
	v57 =	vadd.f32 v48, v53  }
0xc3: {  	v59 =	vadd.f32 v50, v55;
	v4 =	vadd.f32 v4, v6  }
0xc4: {  	v3 =	vadd.f32 v3, v5;
	v60 =	vadd.f32 v52, v57  }
0xc5: {  	v61 =	vadd.f32 v54, v59;
	v1 =	vadd.f32 v1, v4  }
0xc6: {  	v2 =	vadd.f32 v2, v3;
	v62 =	vadd.f32 v56, v60  }
0xc7: {  	v63 =	vadd.f32 v58, v61;
	v0 =	vadd.f32 v0, v1;
	_ =	sdelay $0x1  }
0xc8: {  	v1 =	vadd.f32 v63, v62;
	v0 =	vadd.f32 v2, v0;
	_ =	sdelay $0x1  }
0xc9: {  	v0 =	vadd.f32 v1, v0  }
0xca: {  	s23 =	sshll.u32 s23, $0x4  }
.Ltmp10:
0xcb: {  	s23 =	sadd.s32 s2, s23;
	[tilespmem:s24+$0x3000] =	vst v0;
	(pc) =	sbr.rel .LBB2_11-.Ltmp10, $4  }
0xcc: {  	[hbm4b:s23+s4] =	stream.linear.scatter [tilespmem:s17], [sflag:$0x3], $0x80, $0x38;
	[tilespmem:$0x3100] =	vst v63  }
0xcd: {  	_ =	swait.ge [sflag:s13], $0x80  }
0xce: {  	[sflag:s13] =	ssyncset.done $0x0  }
0xcf: {  	[sflag:s13] =	ssyncadd.s32 $0xFFFFFF80  }
.LBB2_12:
.Ltmp11:
0xd0: {  	(pc) =	sbr.rel @p0 .LBB2_16-.Ltmp11, $1  }
0xd1: {  	_ =	sdelay $0x3  }
0xd2: {  	s22 =	simm.s32 $0x0  }
0xd3: {  	[tilespmem:s20], [sflag:$0x3] =	stream.linear.gather [hbm4b:s5+s22], $0x1000, $0x38;
	[tilespmem:$0x3100] =	vst v63  }
0xd4: {  	_ =	swait.ge [sflag:s13], $0x1000  }
0xd5: {  	[sflag:s13] =	ssyncset.done $0x0  }
0xd6: {  	s22 =	simm.s32 $0x0;
	[sflag:s13] =	ssyncadd.s32 $0xFFFFF000  }
0xd7: {  	v0 =	vld [tilespmem:s22+$0x2E00]  }
0xd8: {  	v2 =	vld [tilespmem:s22+$0x2E80]  }
0xd9: {  	v1 =	vld [tilespmem:s22+$0x2C00]  }
0xda: {  	v3 =	vld [tilespmem:s22+$0x2C80]  }
0xdb: {  	v4 =	vld [tilespmem:s22+$0x2A00]  }
0xdc: {  	v5 =	vld [tilespmem:s22+$0x2A80]  }
0xdd: {  	v6 =	vld [tilespmem:s22+$0x2800]  }
0xde: {  	v7 =	vld [tilespmem:s22+$0x2880]  }
0xdf: {  	v8 =	vld [tilespmem:s22+$0x2600]  }
0xe0: {  	v9 =	vld [tilespmem:s22+$0x2680]  }
0xe1: {  	v10 =	vld [tilespmem:s22+$0x2400]  }
0xe2: {  	v11 =	vld [tilespmem:s22+$0x2480]  }
0xe3: {  	v12 =	vld [tilespmem:s22+$0x2200]  }
0xe4: {  	v13 =	vld [tilespmem:s22+$0x2280]  }
0xe5: {  	v14 =	vld [tilespmem:s22+$0x2000]  }
0xe6: {  	v16 =	vld [tilespmem:s22+$0x2080]  }
0xe7: {  	v17 =	vld [tilespmem:s22+$0x2100]  }
0xe8: {  	s23 =	simm.s32 $0x40;
	v15 =	vld [tilespmem:s22+$0x2180]  }
.LBB2_14:
0xe9: {  	p1 =	sne.s32 s23, $0x100;
	v18 =	vld [tilespmem:$0x3080]  }
0xea: {  	v19 =	vld [tilespmem:s22+$0x2300]  }
0xeb: {  	v20 =	vld [tilespmem:s22+$0x2380]  }
0xec: {  	v21 =	vld [tilespmem:s22+$0x2500]  }
0xed: {  	v16 =	vadd.f32 $0.0e+00, v16;
	v17 =	vadd.f32 $0.0e+00, v17;
	v22 =	vld [tilespmem:s22+$0x2580]  }
0xee: {  	v15 =	vadd.f32 $0.0e+00, v15;
	v14 =	vadd.f32 v14, v18;
	v18 =	vld [tilespmem:s22+$0x2700]  }
0xef: {  	v13 =	vadd.f32 v13, v16;
	v16 =	vadd.f32 v19, v17;
	v17 =	vld [tilespmem:s22+$0x2780]  }
0xf0: {  	v12 =	vadd.f32 v12, v14;
	v14 =	vadd.f32 v20, v15;
	v15 =	vld [tilespmem:s22+$0x2900]  }
0xf1: {  	v11 =	vadd.f32 v11, v13;
	v13 =	vadd.f32 v21, v16;
	v16 =	vld [tilespmem:s22+$0x2980]  }
0xf2: {  	v10 =	vadd.f32 v10, v12;
	v12 =	vadd.f32 v22, v14;
	v14 =	vld [tilespmem:s22+$0x2B00]  }
0xf3: {  	v9 =	vadd.f32 v9, v11;
	v11 =	vadd.f32 v18, v13;
	v13 =	vld [tilespmem:s22+$0x2B80]  }
0xf4: {  	v8 =	vadd.f32 v8, v10;
	v10 =	vadd.f32 v17, v12;
	v12 =	vld [tilespmem:s22+$0x2D00]  }
0xf5: {  	v7 =	vadd.f32 v7, v9;
	v9 =	vadd.f32 v15, v11;
	v11 =	vld [tilespmem:s22+$0x2D80]  }
0xf6: {  	v6 =	vadd.f32 v6, v8;
	v8 =	vadd.f32 v16, v10;
	v10 =	vld [tilespmem:s22+$0x2F00]  }
0xf7: {  	s24 =	sshra.s32 s23, $0x2;
	v5 =	vadd.f32 v5, v7;
	v7 =	vadd.f32 v14, v9;
	v9 =	vld [tilespmem:s22+$0x2F80]  }
0xf8: {  	v14 =	vld [tilespmem:s24+$0x2E00];
	v4 =	vadd.f32 v4, v6;
	v6 =	vadd.f32 v13, v8  }
0xf9: {  	v5 =	vadd.f32 v3, v5;
	v8 =	vld [tilespmem:s24+$0x2E80];
	v7 =	vadd.f32 v12, v7  }
0xfa: {  	v12 =	vadd.f32 v1, v4;
	v1 =	vld [tilespmem:s24+$0x2C00];
	v6 =	vadd.f32 v11, v6  }
0xfb: {  	v11 =	vadd.f32 v2, v5;
	v3 =	vld [tilespmem:s24+$0x2C80];
	v7 =	vadd.f32 v10, v7  }
0xfc: {  	v4 =	vld [tilespmem:s24+$0x2A00];
	v10 =	vadd.f32 v0, v12;
	v9 =	vadd.f32 v9, v6  }
0xfd: {  	v5 =	vld [tilespmem:s24+$0x2A80];
	v0 =	vmov v14  }
0xfe: {  	v6 =	vld [tilespmem:s24+$0x2800];
	v10 =	vadd.f32 v11, v10;
	v9 =	vadd.f32 v9, v7;
	v2 =	vmov v8  }
0xff: {  	v7 =	vld [tilespmem:s24+$0x2880]  }
0x100: {  	v8 =	vld [tilespmem:s24+$0x2600];
	v11 =	vadd.f32 v9, v10  }
0x101: {  	v9 =	vld [tilespmem:s24+$0x2680]  }
0x102: {  	v10 =	vld [tilespmem:s24+$0x2400];
	[tilespmem:s22+$0x3000] =	vst v11;
	s22 =	smov.u32 s24  }
0x103: {  	v11 =	vld [tilespmem:s22+$0x2480]  }
0x104: {  	v12 =	vld [tilespmem:s22+$0x2200]  }
.Ltmp12:
0x105: {  	v13 =	vld [tilespmem:s22+$0x2280];
	(pc) =	sbr.rel @p1 .LBB2_14-.Ltmp12, $4  }
0x106: {  	v14 =	vld [tilespmem:s22+$0x2000]  }
0x107: {  	v16 =	vld [tilespmem:s22+$0x2080]  }
0x108: {  	v17 =	vld [tilespmem:s22+$0x2100]  }
0x109: {  	s23 =	sadd.s32 $0x40, s23;
	v15 =	vld [tilespmem:s22+$0x2180]  }
0x10a: {  	v18 =	vld [tilespmem:$0x3080]  }
0x10b: {  	v19 =	vld [tilespmem:s22+$0x2300]  }
0x10c: {  	v20 =	vld [tilespmem:s22+$0x2380]  }
0x10d: {  	v21 =	vld [tilespmem:s22+$0x2500]  }
0x10e: {  	v22 =	vld [tilespmem:s22+$0x2580];
	v16 =	vadd.f32 $0.0e+00, v16;
	v17 =	vadd.f32 $0.0e+00, v17  }
0x10f: {  	v40 =	vld [tilespmem:s22+$0x2700];
	v15 =	vadd.f32 $0.0e+00, v15;
	v14 =	vadd.f32 v14, v18  }
0x110: {  	v42 =	vld [tilespmem:s22+$0x2780];
	v13 =	vadd.f32 v13, v16;
	v41 =	vadd.f32 v19, v17  }
0x111: {  	v44 =	vld [tilespmem:s22+$0x2900];
	v43 =	vadd.f32 v20, v15;
	v12 =	vadd.f32 v12, v14  }
0x112: {  	v46 =	vld [tilespmem:s22+$0x2980];
	v11 =	vadd.f32 v11, v13;
	v45 =	vadd.f32 v21, v41  }
0x113: {  	v48 =	vld [tilespmem:s22+$0x2B00];
	v47 =	vadd.f32 v22, v43;
	v10 =	vadd.f32 v10, v12  }
0x114: {  	v50 =	vld [tilespmem:s22+$0x2B80];
	v9 =	vadd.f32 v9, v11;
	v49 =	vadd.f32 v40, v45  }
0x115: {  	v52 =	vld [tilespmem:s22+$0x2D00];
	v51 =	vadd.f32 v42, v47;
	v8 =	vadd.f32 v8, v10  }
0x116: {  	v54 =	vld [tilespmem:s22+$0x2D80];
	v7 =	vadd.f32 v7, v9;
	v53 =	vadd.f32 v44, v49  }
0x117: {  	v56 =	vld [tilespmem:s22+$0x2F00];
	v55 =	vadd.f32 v46, v51;
	v6 =	vadd.f32 v6, v8  }
0x118: {  	v58 =	vld [tilespmem:s22+$0x2F80];
	v5 =	vadd.f32 v5, v7;
	v57 =	vadd.f32 v48, v53  }
0x119: {  	v59 =	vadd.f32 v50, v55;
	v4 =	vadd.f32 v4, v6  }
0x11a: {  	v3 =	vadd.f32 v3, v5;
	v60 =	vadd.f32 v52, v57  }
0x11b: {  	v61 =	vadd.f32 v54, v59;
	v1 =	vadd.f32 v1, v4  }
0x11c: {  	v2 =	vadd.f32 v2, v3;
	v62 =	vadd.f32 v56, v60  }
0x11d: {  	v63 =	vadd.f32 v58, v61;
	v0 =	vadd.f32 v0, v1;
	_ =	sdelay $0x1  }
0x11e: {  	v1 =	vadd.f32 v63, v62;
	v0 =	vadd.f32 v2, v0;
	_ =	sdelay $0x1  }
0x11f: {  	v0 =	vadd.f32 v1, v0;
	_ =	sdelay $0x1  }
.Ltmp13:
0x120: {  	[tilespmem:s22+$0x3000] =	vst v0;
	(pc) =	sbr.rel .LBB2_16-.Ltmp13, $4  }
0x121: {  	[hbm4b:s10+s4] =	stream.linear.scatter [tilespmem:s17], [sflag:$0x3], $0x50, $0x38;
	[tilespmem:$0x3100] =	vst v63  }
0x122: {  	_ =	swait.ge [sflag:s13], $0x50  }
0x123: {  	[sflag:s13] =	ssyncset.done $0x0  }
0x124: {  	[sflag:s13] =	ssyncadd.s32 $0xFFFFFFB0  }
.LBB2_17:
0x125: {  	_ =	sfence.sel $0x180000  }
0x126: {  	[bflag:$0x0] =	sbarrier.arrive $0xFFFF  }
0x127: {  	p0 =	sne.s32 s3, $0x0;
	_ =	strace $0x90000047  }
0x128: {  	s0 =	sadd.s32 @!p0 $0x100000, s0;
	[bflag:$0x2] =	sbarrier.arrive $0xFFFF  }
0x129: {  	[sflag:s0] =	ssyncadd.tile.s32 @!p0 $0x1;
	_ =	shalt  }
.Lfunc_end2:
_tile_overlayer_lowered:
.L_overlay_start_2:
0x12a: {  	(tag) =	ssettag $0x2  }
0x12b: {  	s0 =	rddreg [dreg:$0x0];
	s2 =	stileid.u32  }
0x12c: {  	s1 =	rddreg [dreg:$0x1];
	p0 =	sne.s32 s2, $0x0  }
0x12d: {  	s3 =	rddreg [dreg:$0x2];
	[bflag:$0x3] =	sbarrier.arrive $0xFFFF;
	s2 =	simm.s32 @!p0 $0x1C03  }
0x12e: {  	[timem:s3], [sflag:s2] =	dma.local @!p0 [hbm:s0], s1  }
0x12f: {  	s0 =	simm.s32 @!p0 $0x3  }
0x130: {  	_ =	swait.ge @!p0 [sflag:s0], s1  }
0x131: {  	s1 =	ssub.s32 @!p0 $0x0, s1;
	[sflag:s0] =	ssyncset.done @!p0 $0x0  }
0x132: {  	[sflag:s0] =	ssyncadd.s32 @!p0 s1  }
0x133: {  	[bflag:$0x3] =	sbarrier.arrive $0xFFFF  }
0x134: {  	_ =	shalt  }

</sc_bundles>
